<compile_context>
chip_gen: v7x
topology: tpu7x:2x2x1
jax: 0.10.2.dev20260603
libtpu: 0.0.44.dev20260713+nightly
codegen_flags: <defaults>
</compile_context>

<pallas_src>
import functools

import jax
import jax.numpy as jnp
from jax import lax
from jax.experimental import pallas as pl
from jax.experimental.pallas import tpu as pltpu
from jax.experimental.pallas import tpu_sc as plsc

B = 1024
CAST = 1000
IN = 64
H = 64

_NC = 2
_NS = 16
_L = 16
_NW = _NC * _NS
_BPW = B // _NW
_NCHUNK = _BPW * H // 128


@functools.lru_cache(maxsize=None)
def _make_sc_gather():
    @functools.partial(
        pl.kernel,
        mesh=plsc.VectorSubcoreMesh(core_axis_name="c", subcore_axis_name="s"),
        out_type=jax.ShapeDtypeStruct((_NW, _NCHUNK, 128), jnp.float32),
        scratch_types=[
            pltpu.VMEM((_BPW,), jnp.int32),
            pltpu.VMEM((_NCHUNK, 128), jnp.int32),
            pltpu.VMEM((_NCHUNK, 128), jnp.float32),
            pltpu.SemaphoreType.DMA,
        ],
        compiler_params=pltpu.CompilerParams(needs_layout_passes=False,
                                             skip_device_barrier=True),
    )
    def _sc_gather(ids_hbm, flat_hbm, out_hbm, ids_v, idx_v, rows_v, sem):
        wid = lax.axis_index("s") * _NC + lax.axis_index("c")
        base = wid * _BPW
        pltpu.sync_copy(ids_hbm.at[pl.ds(base, _BPW)], ids_v)
        lanes = lax.iota(jnp.int32, _L)
        av = []
        for half in range(_BPW // _L):
            a = jnp.clip(ids_v[pl.ds(half * _L, _L)], 0, CAST - 1)
            i = base + half * _L + lanes
            av.append(a * (H * 1024) + (i // 128) * 1024 + (i % 128))
        descs = []
        for q in range(_NCHUNK):
            for gg in range(8):
                g = q * 8 + gg
                h = g // (_BPW // _L)
                half = g % (_BPW // _L)
                hoff = (h // 8) * 8192 + (h % 8) * 128
                idx_v[q, pl.ds(gg * _L, _L)] = av[half] + hoff
            descs.append(pltpu.async_copy(flat_hbm.at[idx_v.at[q]],
                                          rows_v.at[q], sem))
        for d in descs:
            d.wait()
        pltpu.sync_copy(rows_v, out_hbm.at[wid])

    return _sc_gather


def _gru_body(xt_ref, ht_ref, wih_t, whh_t, br, bz, bin_, bhn, ot_ref):
    ht = ht_ref[...]
    gi = lax.dot_general(wih_t[...], xt_ref[...], (((0,), (0,)), ((), ())),
                         preferred_element_type=jnp.float32)
    gh = lax.dot_general(whh_t[...], ht, (((0,), (0,)), ((), ())),
                         preferred_element_type=jnp.float32)
    r = jax.nn.sigmoid(gi[0:H] + gh[0:H] + br[...])
    z = jax.nn.sigmoid(gi[H:2 * H] + gh[H:2 * H] + bz[...])
    hn = gh[2 * H:] + bhn[...]
    n = jnp.tanh(gi[2 * H:] + bin_[...] + r * hn)
    ot_ref[...] = (1.0 - z) * n + z * ht


_gru = pl.pallas_call(
    _gru_body,
    out_shape=jax.ShapeDtypeStruct((H, B), jnp.float32),
)


def kernel(x, batch_idxs, actor_ids, story_stop_idxs, state, W_ih, W_hh, b_ih, b_hh):
    st_t = jnp.transpose(state, (1, 2, 0))
    st_5d = st_t.reshape(CAST, 8, H // 8, 8, 128)
    st_phys = jnp.transpose(st_5d, (0, 1, 3, 2, 4))
    flat = st_phys.reshape(-1)
    g = _make_sc_gather()(actor_ids, flat)
    ht = g.reshape(_NW, H, _BPW).transpose(1, 0, 2).reshape(H, B)
    xt = x.T
    br = (b_ih[:H] + b_hh[:H]).reshape(H, 1)
    bz = (b_ih[H:2 * H] + b_hh[H:2 * H]).reshape(H, 1)
    bin_ = b_ih[2 * H:].reshape(H, 1)
    bhn = b_hh[2 * H:].reshape(H, 1)
    out_t = _gru(xt, ht, W_ih.T, W_hh.T, br, bz, bin_, bhn)
    return out_t.T

# --- scband reference (transcript-rebuilt; emitter-appended) ---
"""Pipeline reference for scband-fixed-cast-actor-holder-62508954026549 (READ-ONLY COPY).

The authoritative reference and input builder live on the scoring server;
editing this copy changes nothing except your own understanding.
"""

import jax, jax.numpy as jnp
import numpy as np

B = 1024
CAST = 1000
IN = 64
H = 64


def gru_cell(x, h, W_ih, W_hh, b_ih, b_hh):
    # PyTorch GRUCell semantics
    gi = x @ W_ih.T + b_ih
    gh = h @ W_hh.T + b_hh
    i_r, i_z, i_n = jnp.split(gi, 3, axis=1)
    h_r, h_z, h_n = jnp.split(gh, 3, axis=1)
    r = jax.nn.sigmoid(i_r + h_r)
    z = jax.nn.sigmoid(i_z + h_z)
    n = jnp.tanh(i_n + r * h_n)
    return (1.0 - z) * n + z * h


def setup_inputs(seed: int = 0) -> dict:
    key = jax.random.key(seed)
    ks = jax.random.split(key, 9)
    x = jax.random.normal(ks[0], (B, IN), dtype=jnp.float32)
    batch_idxs = jnp.arange(B, dtype=jnp.int32)
    actor_ids = jax.random.randint(ks[1], (B,), 0, CAST, dtype=jnp.int32)
    story_stop_idxs = jax.random.randint(ks[2], (64,), 0, B, dtype=jnp.int32)
    state = jax.random.normal(ks[3], (B, CAST, H), dtype=jnp.float32)
    s = 1.0 / np.sqrt(H)
    W_ih = jax.random.uniform(ks[4], (3 * H, IN), minval=-s, maxval=s, dtype=jnp.float32)
    W_hh = jax.random.uniform(ks[5], (3 * H, H), minval=-s, maxval=s, dtype=jnp.float32)
    b_ih = jax.random.uniform(ks[6], (3 * H,), minval=-s, maxval=s, dtype=jnp.float32)
    b_hh = jax.random.uniform(ks[7], (3 * H,), minval=-s, maxval=s, dtype=jnp.float32)
    return {"x": x, "batch_idxs": batch_idxs, "actor_ids": actor_ids,
            "story_stop_idxs": story_stop_idxs, "state": state,
            "W_ih": W_ih, "W_hh": W_hh, "b_ih": b_ih, "b_hh": b_hh}


def reference(x, batch_idxs, actor_ids, story_stop_idxs, state, W_ih, W_hh, b_ih, b_hh):
    # actor_ids.clamp_(0, cast_size - 1)
    actor_ids = jnp.clip(actor_ids, 0, CAST - 1)
    # lt_idxs = stack([batch_idxs, actor_ids[batch_idxs]]).t(); SelectND gather
    actors = actor_ids[batch_idxs]
    selected = state[batch_idxs, actors]            # gather [K, H]
    new_selected = gru_cell(x, selected, W_ih, W_hh, b_ih, b_hh)
    # SelectiveUpdate: scatter-overwrite new hidden states into memory
    new_state = state.at[batch_idxs, actors].set(new_selected)
    # InPlaceZeroDetach on story_stop_idxs (zeros finished stories' memory rows)
    new_state = new_state.at[story_stop_idxs].set(0.0)
    # module returns the newly computed hidden states
    return new_selected

if __name__ == "__main__":
    import jax
    _d = setup_inputs()
    print(jax.jit(kernel)(*tuple(_d.values())))

</pallas_src>

<mosaic_0001>
#map = affine_map<(d0, d1) -> (0)>
#map1 = affine_map<(d0, d1) -> (0, 0, 0)>
module attributes {stable_mosaic.version = 14 : i64} {
  func.func @_sc_gather(%arg0: i32, %arg1: i32, %arg2: memref<1024xi32, #tpu.memory_space<hbm>>, %arg3: memref<65536000xf32, #tpu.memory_space<hbm>>, %arg4: memref<32x16x128xf32, #tpu.memory_space<hbm>>, %arg5: memref<32xi32, #tpu.memory_space<vmem>>, %arg6: memref<16x128xi32, #tpu.memory_space<vmem>>, %arg7: memref<16x128xf32, #tpu.memory_space<vmem>>, %arg8: memref<!tpu.dma_semaphore, #tpu.memory_space<semaphore_mem>>) attributes {dimension_semantics = [#tpu.dimension_semantics<core_parallel>, #tpu.dimension_semantics<subcore_parallel>], iteration_bounds = array<i64: 2, 16>, scalar_prefetch = 0 : i64, scratch_operands = 4 : i64, tpu.core_type = #tpu.core_type<sc_vector_subcore>, window_params = [{transform_indices = #map}, {transform_indices = #map}, {transform_indices = #map1}]} {
    %mul3A = arith.constant 2 : i32
    %mul3A_0 = arith.muli %arg1, %mul3A : i32
    %add3A = arith.addi %mul3A_0, %arg0 : i32
    %mul3A_1 = arith.constant 32 : i32
    %mul3A_2 = arith.muli %add3A, %mul3A_1 : i32
    "tpu.region"() ({
      %run_scoped3A = tpu.sem_alloc : memref<!tpu.dma_semaphore, #tpu.memory_space<semaphore_mem>>
      %dma_start3A_1349 = tpu.memref_slice %arg2[%mul3A_2] : memref<1024xi32, #tpu.memory_space<hbm>> -> memref<32xi32, #tpu.memory_space<hbm>>
      %dma_start3A_1350 = tpu.memref_slice %arg2[%mul3A_2] : memref<1024xi32, #tpu.memory_space<hbm>> -> memref<32xi32, #tpu.memory_space<hbm>>
      tpu.enqueue_dma source(%dma_start3A_1350 : memref<32xi32, #tpu.memory_space<hbm>>) target(%arg5 : memref<32xi32, #tpu.memory_space<vmem>>) target_semaphore(%run_scoped3A : memref<!tpu.dma_semaphore, #tpu.memory_space<semaphore_mem>>)
      %dma_wait3A_1351 = tpu.memref_slice %arg2[%mul3A_2] : memref<1024xi32, #tpu.memory_space<hbm>> -> memref<32xi32, #tpu.memory_space<hbm>>
      %dma_wait3A_1352 = tpu.memref_slice %arg2[%mul3A_2] : memref<1024xi32, #tpu.memory_space<hbm>> -> memref<32xi32, #tpu.memory_space<hbm>>
      tpu.wait_dma2 semaphore(%run_scoped3A : memref<!tpu.dma_semaphore, #tpu.memory_space<semaphore_mem>>) src(%dma_wait3A_1352 : memref<32xi32, #tpu.memory_space<hbm>>) dst(%arg5 : memref<32xi32, #tpu.memory_space<vmem>>)
      tpu.yield
    }) : () -> ()
    %iota3A = tpu.iota {dimensions = array<i32: 0>} : vector<16xi32>
    %get3A = arith.constant 0 : index
    %get3A_3 = tpu.vector_load %arg5[%get3A] {strides = array<i32>} : memref<32xi32, #tpu.memory_space<vmem>>, vector<16xi32>,
    %jit3A = arith.constant 0 : i32
    %jit3A_4 = arith.constant 999 : i32
    %max3A = vector.broadcast %jit3A : i32 to vector<16xi32>
    %max3A_5 = arith.maxsi %max3A, %get3A_3 : vector<16xi32>
    %min3A = vector.broadcast %jit3A_4 : i32 to vector<16xi32>
    %min3A_6 = arith.minsi %min3A, %max3A_5 : vector<16xi32>
    %add3A_7 = arith.constant 0 : i32
    %add3A_8 = arith.addi %mul3A_2, %add3A_7 : i32
    %add3A_9 = vector.broadcast %add3A_8 : i32 to vector<16xi32>
    %add3A_10 = arith.addi %add3A_9, %iota3A : vector<16xi32>
    %mul3A_11 = arith.constant 65536 : i32
    %mul3A_12 = vector.broadcast %mul3A_11 : i32 to vector<16xi32>
    %mul3A_13 = arith.muli %min3A_6, %mul3A_12 : vector<16xi32>
    %jit3A_14 = arith.constant 128 : i32
    %div3A = vector.broadcast %jit3A_14 : i32 to vector<16xi32>
    %div3A_15 = arith.divsi %add3A_10, %div3A : vector<16xi32>
    %sign3A = arith.constant 0 : i32
    %sign3A_16 = vector.broadcast %sign3A : i32 to vector<16xi32>
    %sign3A_17 = arith.cmpi sgt, %add3A_10, %sign3A_16 : vector<16xi32>
    %sign3A_18 = arith.extui %sign3A_17 : vector<16xi1> to vector<16xi32>
    %sign3A_19 = arith.constant 0 : i32
    %sign3A_20 = vector.broadcast %sign3A_19 : i32 to vector<16xi32>
    %sign3A_21 = arith.cmpi slt, %add3A_10, %sign3A_20 : vector<16xi32>
    %sign3A_22 = arith.extui %sign3A_21 : vector<16xi1> to vector<16xi32>
    %sign3A_23 = arith.subi %sign3A_18, %sign3A_22 : vector<16xi32>
    %sign3A_24 = arith.constant 0 : i32
    %sign3A_25 = arith.cmpi sgt, %jit3A_14, %sign3A_24 : i32
    %sign3A_26 = arith.extui %sign3A_25 : i1 to i32
    %sign3A_27 = arith.constant 0 : i32
    %sign3A_28 = arith.cmpi slt, %jit3A_14, %sign3A_27 : i32
    %sign3A_29 = arith.extui %sign3A_28 : i1 to i32
    %sign3A_30 = arith.subi %sign3A_26, %sign3A_29 : i32
    %ne3A = vector.broadcast %sign3A_30 : i32 to vector<16xi32>
    %ne3A_31 = arith.cmpi ne, %sign3A_23, %ne3A : vector<16xi32>
    %rem3A = vector.broadcast %jit3A_14 : i32 to vector<16xi32>
    %rem3A_32 = arith.remsi %add3A_10, %rem3A : vector<16xi32>
    %ne3A_33 = arith.constant 0 : i32
    %ne3A_34 = vector.broadcast %ne3A_33 : i32 to vector<16xi32>
    %ne3A_35 = arith.cmpi ne, %rem3A_32, %ne3A_34 : vector<16xi32>
    %and3A = arith.andi %ne3A_31, %ne3A_35 : vector<16xi1>
    %sub3A = arith.constant 1 : i32
    %sub3A_36 = vector.broadcast %sub3A : i32 to vector<16xi32>
    %sub3A_37 = arith.subi %div3A_15, %sub3A_36 : vector<16xi32>
    %select_n3A = arith.select %and3A, %sub3A_37, %div3A_15 : vector<16xi1>, vector<16xi32>
    %mul3A_38 = arith.constant 1024 : i32
    %mul3A_39 = vector.broadcast %mul3A_38 : i32 to vector<16xi32>
    %mul3A_40 = arith.muli %select_n3A, %mul3A_39 : vector<16xi32>
    %add3A_41 = arith.addi %mul3A_13, %mul3A_40 : vector<16xi32>
    %jit3A_42 = arith.constant 128 : i32
    %eq3A = arith.constant 0 : i32
    %eq3A_43 = arith.cmpi eq, %jit3A_42, %eq3A : i32
    %jit3A_44 = arith.constant 1 : i32
    %select_n3A_45 = arith.select %eq3A_43, %jit3A_44, %jit3A_42 : i32
    %rem3A_46 = vector.broadcast %select_n3A_45 : i32 to vector<16xi32>
    %rem3A_47 = arith.remsi %add3A_10, %rem3A_46 : vector<16xi32>
    %ne3A_48 = arith.constant 0 : i32
    %ne3A_49 = vector.broadcast %ne3A_48 : i32 to vector<16xi32>
    %ne3A_50 = arith.cmpi ne, %rem3A_47, %ne3A_49 : vector<16xi32>
    %lt3A = arith.constant 0 : i32
    %lt3A_51 = vector.broadcast %lt3A : i32 to vector<16xi32>
    %lt3A_52 = arith.cmpi slt, %rem3A_47, %lt3A_51 : vector<16xi32>
    %lt3A_53 = arith.constant 0 : i32
    %lt3A_54 = arith.cmpi slt, %select_n3A_45, %lt3A_53 : i32
    %ne3A_55 = vector.broadcast %lt3A_54 : i1 to vector<16xi1>
    %ne3A_56 = vector.broadcast %ne3A_55 : vector<16xi1> to vector<16xi1>
    %ne3A_57 = arith.xori %lt3A_52, %ne3A_56 : vector<16xi1>
    %and3A_58 = arith.andi %ne3A_57, %ne3A_50 : vector<16xi1>
    %add3A_59 = vector.broadcast %select_n3A_45 : i32 to vector<16xi32>
    %add3A_60 = arith.addi %rem3A_47, %add3A_59 : vector<16xi32>
    %select_n3A_61 = arith.select %and3A_58, %add3A_60, %rem3A_47 : vector<16xi1>, vector<16xi32>
    %add3A_62 = arith.addi %add3A_41, %select_n3A_61 : vector<16xi32>
    %get3A_63 = arith.constant 16 : index
    %get3A_64 = tpu.vector_load %arg5[%get3A_63] {strides = array<i32>} : memref<32xi32, #tpu.memory_space<vmem>>, vector<16xi32>,
    %jit3A_65 = arith.constant 0 : i32
    %jit3A_66 = arith.constant 999 : i32
    %max3A_67 = vector.broadcast %jit3A_65 : i32 to vector<16xi32>
    %max3A_68 = arith.maxsi %max3A_67, %get3A_64 : vector<16xi32>
    %min3A_69 = vector.broadcast %jit3A_66 : i32 to vector<16xi32>
    %min3A_70 = arith.minsi %min3A_69, %max3A_68 : vector<16xi32>
    %add3A_71 = arith.constant 16 : i32
    %add3A_72 = arith.addi %mul3A_2, %add3A_71 : i32
    %add3A_73 = vector.broadcast %add3A_72 : i32 to vector<16xi32>
    %add3A_74 = arith.addi %add3A_73, %iota3A : vector<16xi32>
    %mul3A_75 = arith.constant 65536 : i32
    %mul3A_76 = vector.broadcast %mul3A_75 : i32 to vector<16xi32>
    %mul3A_77 = arith.muli %min3A_70, %mul3A_76 : vector<16xi32>
    %jit3A_78 = arith.constant 128 : i32
    %div3A_79 = vector.broadcast %jit3A_78 : i32 to vector<16xi32>
    %div3A_80 = arith.divsi %add3A_74, %div3A_79 : vector<16xi32>
    %sign3A_81 = arith.constant 0 : i32
    %sign3A_82 = vector.broadcast %sign3A_81 : i32 to vector<16xi32>
    %sign3A_83 = arith.cmpi sgt, %add3A_74, %sign3A_82 : vector<16xi32>
    %sign3A_84 = arith.extui %sign3A_83 : vector<16xi1> to vector<16xi32>
    %sign3A_85 = arith.constant 0 : i32
    %sign3A_86 = vector.broadcast %sign3A_85 : i32 to vector<16xi32>
    %sign3A_87 = arith.cmpi slt, %add3A_74, %sign3A_86 : vector<16xi32>
    %sign3A_88 = arith.extui %sign3A_87 : vector<16xi1> to vector<16xi32>
    %sign3A_89 = arith.subi %sign3A_84, %sign3A_88 : vector<16xi32>
    %sign3A_90 = arith.constant 0 : i32
    %sign3A_91 = arith.cmpi sgt, %jit3A_78, %sign3A_90 : i32
    %sign3A_92 = arith.extui %sign3A_91 : i1 to i32
    %sign3A_93 = arith.constant 0 : i32
    %sign3A_94 = arith.cmpi slt, %jit3A_78, %sign3A_93 : i32
    %sign3A_95 = arith.extui %sign3A_94 : i1 to i32
    %sign3A_96 = arith.subi %sign3A_92, %sign3A_95 : i32
    %ne3A_97 = vector.broadcast %sign3A_96 : i32 to vector<16xi32>
    %ne3A_98 = arith.cmpi ne, %sign3A_89, %ne3A_97 : vector<16xi32>
    %rem3A_99 = vector.broadcast %jit3A_78 : i32 to vector<16xi32>
    %rem3A_100 = arith.remsi %add3A_74, %rem3A_99 : vector<16xi32>
    %ne3A_101 = arith.constant 0 : i32
    %ne3A_102 = vector.broadcast %ne3A_101 : i32 to vector<16xi32>
    %ne3A_103 = arith.cmpi ne, %rem3A_100, %ne3A_102 : vector<16xi32>
    %and3A_104 = arith.andi %ne3A_98, %ne3A_103 : vector<16xi1>
    %sub3A_105 = arith.constant 1 : i32
    %sub3A_106 = vector.broadcast %sub3A_105 : i32 to vector<16xi32>
    %sub3A_107 = arith.subi %div3A_80, %sub3A_106 : vector<16xi32>
    %select_n3A_108 = arith.select %and3A_104, %sub3A_107, %div3A_80 : vector<16xi1>, vector<16xi32>
    %mul3A_109 = arith.constant 1024 : i32
    %mul3A_110 = vector.broadcast %mul3A_109 : i32 to vector<16xi32>
    %mul3A_111 = arith.muli %select_n3A_108, %mul3A_110 : vector<16xi32>
    %add3A_112 = arith.addi %mul3A_77, %mul3A_111 : vector<16xi32>
    %jit3A_113 = arith.constant 128 : i32
    %eq3A_114 = arith.constant 0 : i32
    %eq3A_115 = arith.cmpi eq, %jit3A_113, %eq3A_114 : i32
    %jit3A_116 = arith.constant 1 : i32
    %select_n3A_117 = arith.select %eq3A_115, %jit3A_116, %jit3A_113 : i32
    %rem3A_118 = vector.broadcast %select_n3A_117 : i32 to vector<16xi32>
    %rem3A_119 = arith.remsi %add3A_74, %rem3A_118 : vector<16xi32>
    %ne3A_120 = arith.constant 0 : i32
    %ne3A_121 = vector.broadcast %ne3A_120 : i32 to vector<16xi32>
    %ne3A_122 = arith.cmpi ne, %rem3A_119, %ne3A_121 : vector<16xi32>
    %lt3A_123 = arith.constant 0 : i32
    %lt3A_124 = vector.broadcast %lt3A_123 : i32 to vector<16xi32>
    %lt3A_125 = arith.cmpi slt, %rem3A_119, %lt3A_124 : vector<16xi32>
    %lt3A_126 = arith.constant 0 : i32
    %lt3A_127 = arith.cmpi slt, %select_n3A_117, %lt3A_126 : i32
    %ne3A_128 = vector.broadcast %lt3A_127 : i1 to vector<16xi1>
    %ne3A_129 = vector.broadcast %ne3A_128 : vector<16xi1> to vector<16xi1>
    %ne3A_130 = arith.xori %lt3A_125, %ne3A_129 : vector<16xi1>
    %and3A_131 = arith.andi %ne3A_130, %ne3A_122 : vector<16xi1>
    %add3A_132 = vector.broadcast %select_n3A_117 : i32 to vector<16xi32>
    %add3A_133 = arith.addi %rem3A_119, %add3A_132 : vector<16xi32>
    %select_n3A_134 = arith.select %and3A_131, %add3A_133, %rem3A_119 : vector<16xi1>, vector<16xi32>
    %add3A_135 = arith.addi %add3A_112, %select_n3A_134 : vector<16xi32>
    %add3A_136 = arith.constant 0 : i32
    %add3A_137 = vector.broadcast %add3A_136 : i32 to vector<16xi32>
    %add3A_138 = arith.addi %add3A_62, %add3A_137 : vector<16xi32>
    %swap3A = arith.constant 0 : i32
    %swap3A_139 = arith.index_cast %swap3A : i32 to index
    %swap3A_140 = arith.constant 0 : index
    %swap3A_141 = tpu.vector_load %arg6[%swap3A_139, %swap3A_140] {strides = array<i32>} : memref<16x128xi32, #tpu.memory_space<vmem>>, vector<16xi32>,
    tpu.vector_store %arg6[%swap3A_139, %swap3A_140], %add3A_138 {strides = array<i32>} : memref<16x128xi32, #tpu.memory_space<vmem>>, vector<16xi32>,
    %add3A_142 = arith.constant 0 : i32
    %add3A_143 = vector.broadcast %add3A_142 : i32 to vector<16xi32>
    %add3A_144 = arith.addi %add3A_135, %add3A_143 : vector<16xi32>
    %swap3A_145 = arith.constant 0 : i32
    %swap3A_146 = arith.index_cast %swap3A_145 : i32 to index
    %swap3A_147 = arith.constant 16 : index
    %swap3A_148 = tpu.vector_load %arg6[%swap3A_146, %swap3A_147] {strides = array<i32>} : memref<16x128xi32, #tpu.memory_space<vmem>>, vector<16xi32>,
    tpu.vector_store %arg6[%swap3A_146, %swap3A_147], %add3A_144 {strides = array<i32>} : memref<16x128xi32, #tpu.memory_space<vmem>>, vector<16xi32>,
    %add3A_149 = arith.constant 128 : i32
    %add3A_150 = vector.broadcast %add3A_149 : i32 to vector<16xi32>
    %add3A_151 = arith.addi %add3A_62, %add3A_150 : vector<16xi32>
    %swap3A_152 = arith.constant 0 : i32
    %swap3A_153 = arith.index_cast %swap3A_152 : i32 to index
    %swap3A_154 = arith.constant 32 : index
    %swap3A_155 = tpu.vector_load %arg6[%swap3A_153, %swap3A_154] {strides = array<i32>} : memref<16x128xi32, #tpu.memory_space<vmem>>, vector<16xi32>,
    tpu.vector_store %arg6[%swap3A_153, %swap3A_154], %add3A_151 {strides = array<i32>} : memref<16x128xi32, #tpu.memory_space<vmem>>, vector<16xi32>,
    %add3A_156 = arith.constant 128 : i32
    %add3A_157 = vector.broadcast %add3A_156 : i32 to vector<16xi32>
    %add3A_158 = arith.addi %add3A_135, %add3A_157 : vector<16xi32>
    %swap3A_159 = arith.constant 0 : i32
    %swap3A_160 = arith.index_cast %swap3A_159 : i32 to index
    %swap3A_161 = arith.constant 48 : index
    %swap3A_162 = tpu.vector_load %arg6[%swap3A_160, %swap3A_161] {strides = array<i32>} : memref<16x128xi32, #tpu.memory_space<vmem>>, vector<16xi32>,
    tpu.vector_store %arg6[%swap3A_160, %swap3A_161], %add3A_158 {strides = array<i32>} : memref<16x128xi32, #tpu.memory_space<vmem>>, vector<16xi32>,
    %add3A_163 = arith.constant 256 : i32
    %add3A_164 = vector.broadcast %add3A_163 : i32 to vector<16xi32>
    %add3A_165 = arith.addi %add3A_62, %add3A_164 : vector<16xi32>
    %swap3A_166 = arith.constant 0 : i32
    %swap3A_167 = arith.index_cast %swap3A_166 : i32 to index
    %swap3A_168 = arith.constant 64 : index
    %swap3A_169 = tpu.vector_load %arg6[%swap3A_167, %swap3A_168] {strides = array<i32>} : memref<16x128xi32, #tpu.memory_space<vmem>>, vector<16xi32>,
    tpu.vector_store %arg6[%swap3A_167, %swap3A_168], %add3A_165 {strides = array<i32>} : memref<16x128xi32, #tpu.memory_space<vmem>>, vector<16xi32>,
    %add3A_170 = arith.constant 256 : i32
    %add3A_171 = vector.broadcast %add3A_170 : i32 to vector<16xi32>
    %add3A_172 = arith.addi %add3A_135, %add3A_171 : vector<16xi32>
    %swap3A_173 = arith.constant 0 : i32
    %swap3A_174 = arith.index_cast %swap3A_173 : i32 to index
    %swap3A_175 = arith.constant 80 : index
    %swap3A_176 = tpu.vector_load %arg6[%swap3A_174, %swap3A_175] {strides = array<i32>} : memref<16x128xi32, #tpu.memory_space<vmem>>, vector<16xi32>,
    tpu.vector_store %arg6[%swap3A_174, %swap3A_175], %add3A_172 {strides = array<i32>} : memref<16x128xi32, #tpu.memory_space<vmem>>, vector<16xi32>,
    %add3A_177 = arith.constant 384 : i32
    %add3A_178 = vector.broadcast %add3A_177 : i32 to vector<16xi32>
    %add3A_179 = arith.addi %add3A_62, %add3A_178 : vector<16xi32>
    %swap3A_180 = arith.constant 0 : i32
    %swap3A_181 = arith.index_cast %swap3A_180 : i32 to index
    %swap3A_182 = arith.constant 96 : index
    %swap3A_183 = tpu.vector_load %arg6[%swap3A_181, %swap3A_182] {strides = array<i32>} : memref<16x128xi32, #tpu.memory_space<vmem>>, vector<16xi32>,
    tpu.vector_store %arg6[%swap3A_181, %swap3A_182], %add3A_179 {strides = array<i32>} : memref<16x128xi32, #tpu.memory_space<vmem>>, vector<16xi32>,
    %add3A_184 = arith.constant 384 : i32
    %add3A_185 = vector.broadcast %add3A_184 : i32 to vector<16xi32>
    %add3A_186 = arith.addi %add3A_135, %add3A_185 : vector<16xi32>
    %swap3A_187 = arith.constant 0 : i32
    %swap3A_188 = arith.index_cast %swap3A_187 : i32 to index
    %swap3A_189 = arith.constant 112 : index
    %swap3A_190 = tpu.vector_load %arg6[%swap3A_188, %swap3A_189] {strides = array<i32>} : memref<16x128xi32, #tpu.memory_space<vmem>>, vector<16xi32>,
    tpu.vector_store %arg6[%swap3A_188, %swap3A_189], %add3A_186 {strides = array<i32>} : memref<16x128xi32, #tpu.memory_space<vmem>>, vector<16xi32>,
    %dma_start3A = arith.constant 0 : i32
    %dma_start3A_191 = arith.constant 0 : i32
    %dma_start3A_192 = arith.constant 0 : i32
    %dma_start3A_193 = tpu.memref_slice %arg7[%dma_start3A_191, %dma_start3A_192] : memref<16x128xf32, #tpu.memory_space<vmem>> -> memref<1x128xf32, #tpu.memory_space<vmem>>
    %dma_start3A_194 = tpu.memref_squeeze %dma_start3A_193 : memref<1x128xf32, #tpu.memory_space<vmem>> -> memref<128xf32, #tpu.memory_space<vmem>>
    %dma_start3A_195 = arith.constant 0 : i32
    %dma_start3A_196 = tpu.memref_slice %arg6[%dma_start3A, %dma_start3A_195] : memref<16x128xi32, #tpu.memory_space<vmem>> -> memref<1x128xi32, #tpu.memory_space<vmem>>
    %dma_start3A_197 = tpu.memref_squeeze %dma_start3A_196 : memref<1x128xi32, #tpu.memory_space<vmem>> -> memref<128xi32, #tpu.memory_space<vmem>>
    %dma_start3A_198 = arith.constant 0 : i32
    %dma_start3A_199 = tpu.memref_slice %arg3[%dma_start3A_198] : memref<65536000xf32, #tpu.memory_space<hbm>> -> memref<65536000xf32, #tpu.memory_space<hbm>>
    tpu.enqueue_indirect_dma source(%dma_start3A_199 : memref<65536000xf32, #tpu.memory_space<hbm>>) target(%dma_start3A_194 : memref<128xf32, #tpu.memory_space<vmem>>) offsets(%dma_start3A_197 : memref<128xi32, #tpu.memory_space<vmem>>) semaphore(%arg8 : memref<!tpu.dma_semaphore, #tpu.memory_space<semaphore_mem>>)
    %add3A_200 = arith.constant 512 : i32
    %add3A_201 = vector.broadcast %add3A_200 : i32 to vector<16xi32>
    %add3A_202 = arith.addi %add3A_62, %add3A_201 : vector<16xi32>
    %swap3A_203 = arith.constant 1 : i32
    %swap3A_204 = arith.index_cast %swap3A_203 : i32 to index
    %swap3A_205 = arith.constant 0 : index
    %swap3A_206 = tpu.vector_load %arg6[%swap3A_204, %swap3A_205] {strides = array<i32>} : memref<16x128xi32, #tpu.memory_space<vmem>>, vector<16xi32>,
    tpu.vector_store %arg6[%swap3A_204, %swap3A_205], %add3A_202 {strides = array<i32>} : memref<16x128xi32, #tpu.memory_space<vmem>>, vector<16xi32>,
    %add3A_207 = arith.constant 512 : i32
    %add3A_208 = vector.broadcast %add3A_207 : i32 to vector<16xi32>
    %add3A_209 = arith.addi %add3A_135, %add3A_208 : vector<16xi32>
    %swap3A_210 = arith.constant 1 : i32
    %swap3A_211 = arith.index_cast %swap3A_210 : i32 to index
    %swap3A_212 = arith.constant 16 : index
    %swap3A_213 = tpu.vector_load %arg6[%swap3A_211, %swap3A_212] {strides = array<i32>} : memref<16x128xi32, #tpu.memory_space<vmem>>, vector<16xi32>,
    tpu.vector_store %arg6[%swap3A_211, %swap3A_212], %add3A_209 {strides = array<i32>} : memref<16x128xi32, #tpu.memory_space<vmem>>, vector<16xi32>,
    %add3A_214 = arith.constant 640 : i32
    %add3A_215 = vector.broadcast %add3A_214 : i32 to vector<16xi32>
    %add3A_216 = arith.addi %add3A_62, %add3A_215 : vector<16xi32>
    %swap3A_217 = arith.constant 1 : i32
    %swap3A_218 = arith.index_cast %swap3A_217 : i32 to index
    %swap3A_219 = arith.constant 32 : index
    %swap3A_220 = tpu.vector_load %arg6[%swap3A_218, %swap3A_219] {strides = array<i32>} : memref<16x128xi32, #tpu.memory_space<vmem>>, vector<16xi32>,
    tpu.vector_store %arg6[%swap3A_218, %swap3A_219], %add3A_216 {strides = array<i32>} : memref<16x128xi32, #tpu.memory_space<vmem>>, vector<16xi32>,
    %add3A_221 = arith.constant 640 : i32
    %add3A_222 = vector.broadcast %add3A_221 : i32 to vector<16xi32>
    %add3A_223 = arith.addi %add3A_135, %add3A_222 : vector<16xi32>
    %swap3A_224 = arith.constant 1 : i32
    %swap3A_225 = arith.index_cast %swap3A_224 : i32 to index
    %swap3A_226 = arith.constant 48 : index
    %swap3A_227 = tpu.vector_load %arg6[%swap3A_225, %swap3A_226] {strides = array<i32>} : memref<16x128xi32, #tpu.memory_space<vmem>>, vector<16xi32>,
    tpu.vector_store %arg6[%swap3A_225, %swap3A_226], %add3A_223 {strides = array<i32>} : memref<16x128xi32, #tpu.memory_space<vmem>>, vector<16xi32>,
    %add3A_228 = arith.constant 768 : i32
    %add3A_229 = vector.broadcast %add3A_228 : i32 to vector<16xi32>
    %add3A_230 = arith.addi %add3A_62, %add3A_229 : vector<16xi32>
    %swap3A_231 = arith.constant 1 : i32
    %swap3A_232 = arith.index_cast %swap3A_231 : i32 to index
    %swap3A_233 = arith.constant 64 : index
    %swap3A_234 = tpu.vector_load %arg6[%swap3A_232, %swap3A_233] {strides = array<i32>} : memref<16x128xi32, #tpu.memory_space<vmem>>, vector<16xi32>,
    tpu.vector_store %arg6[%swap3A_232, %swap3A_233], %add3A_230 {strides = array<i32>} : memref<16x128xi32, #tpu.memory_space<vmem>>, vector<16xi32>,
    %add3A_235 = arith.constant 768 : i32
    %add3A_236 = vector.broadcast %add3A_235 : i32 to vector<16xi32>
    %add3A_237 = arith.addi %add3A_135, %add3A_236 : vector<16xi32>
    %swap3A_238 = arith.constant 1 : i32
    %swap3A_239 = arith.index_cast %swap3A_238 : i32 to index
    %swap3A_240 = arith.constant 80 : index
    %swap3A_241 = tpu.vector_load %arg6[%swap3A_239, %swap3A_240] {strides = array<i32>} : memref<16x128xi32, #tpu.memory_space<vmem>>, vector<16xi32>,
    tpu.vector_store %arg6[%swap3A_239, %swap3A_240], %add3A_237 {strides = array<i32>} : memref<16x128xi32, #tpu.memory_space<vmem>>, vector<16xi32>,
    %add3A_242 = arith.constant 896 : i32
    %add3A_243 = vector.broadcast %add3A_242 : i32 to vector<16xi32>
    %add3A_244 = arith.addi %add3A_62, %add3A_243 : vector<16xi32>
    %swap3A_245 = arith.constant 1 : i32
    %swap3A_246 = arith.index_cast %swap3A_245 : i32 to index
    %swap3A_247 = arith.constant 96 : index
    %swap3A_248 = tpu.vector_load %arg6[%swap3A_246, %swap3A_247] {strides = array<i32>} : memref<16x128xi32, #tpu.memory_space<vmem>>, vector<16xi32>,
    tpu.vector_store %arg6[%swap3A_246, %swap3A_247], %add3A_244 {strides = array<i32>} : memref<16x128xi32, #tpu.memory_space<vmem>>, vector<16xi32>,
    %add3A_249 = arith.constant 896 : i32
    %add3A_250 = vector.broadcast %add3A_249 : i32 to vector<16xi32>
    %add3A_251 = arith.addi %add3A_135, %add3A_250 : vector<16xi32>
    %swap3A_252 = arith.constant 1 : i32
    %swap3A_253 = arith.index_cast %swap3A_252 : i32 to index
    %swap3A_254 = arith.constant 112 : index
    %swap3A_255 = tpu.vector_load %arg6[%swap3A_253, %swap3A_254] {strides = array<i32>} : memref<16x128xi32, #tpu.memory_space<vmem>>, vector<16xi32>,
    tpu.vector_store %arg6[%swap3A_253, %swap3A_254], %add3A_251 {strides = array<i32>} : memref<16x128xi32, #tpu.memory_space<vmem>>, vector<16xi32>,
    %dma_start3A_256 = arith.constant 1 : i32
    %dma_start3A_257 = arith.constant 1 : i32
    %dma_start3A_258 = arith.constant 0 : i32
    %dma_start3A_259 = tpu.memref_slice %arg7[%dma_start3A_257, %dma_start3A_258] : memref<16x128xf32, #tpu.memory_space<vmem>> -> memref<1x128xf32, #tpu.memory_space<vmem>>
    %dma_start3A_260 = tpu.memref_squeeze %dma_start3A_259 : memref<1x128xf32, #tpu.memory_space<vmem>> -> memref<128xf32, #tpu.memory_space<vmem>>
    %dma_start3A_261 = arith.constant 0 : i32
    %dma_start3A_262 = tpu.memref_slice %arg6[%dma_start3A_256, %dma_start3A_261] : memref<16x128xi32, #tpu.memory_space<vmem>> -> memref<1x128xi32, #tpu.memory_space<vmem>>
    %dma_start3A_263 = tpu.memref_squeeze %dma_start3A_262 : memref<1x128xi32, #tpu.memory_space<vmem>> -> memref<128xi32, #tpu.memory_space<vmem>>
    %dma_start3A_264 = arith.constant 0 : i32
    %dma_start3A_265 = tpu.memref_slice %arg3[%dma_start3A_264] : memref<65536000xf32, #tpu.memory_space<hbm>> -> memref<65536000xf32, #tpu.memory_space<hbm>>
    tpu.enqueue_indirect_dma source(%dma_start3A_265 : memref<65536000xf32, #tpu.memory_space<hbm>>) target(%dma_start3A_260 : memref<128xf32, #tpu.memory_space<vmem>>) offsets(%dma_start3A_263 : memref<128xi32, #tpu.memory_space<vmem>>) semaphore(%arg8 : memref<!tpu.dma_semaphore, #tpu.memory_space<semaphore_mem>>)
    %add3A_266 = arith.constant 8192 : i32
    %add3A_267 = vector.broadcast %add3A_266 : i32 to vector<16xi32>
    %add3A_268 = arith.addi %add3A_62, %add3A_267 : vector<16xi32>
    %swap3A_269 = arith.constant 2 : i32
    %swap3A_270 = arith.index_cast %swap3A_269 : i32 to index
    %swap3A_271 = arith.constant 0 : index
    %swap3A_272 = tpu.vector_load %arg6[%swap3A_270, %swap3A_271] {strides = array<i32>} : memref<16x128xi32, #tpu.memory_space<vmem>>, vector<16xi32>,
    tpu.vector_store %arg6[%swap3A_270, %swap3A_271], %add3A_268 {strides = array<i32>} : memref<16x128xi32, #tpu.memory_space<vmem>>, vector<16xi32>,
    %add3A_273 = arith.constant 8192 : i32
    %add3A_274 = vector.broadcast %add3A_273 : i32 to vector<16xi32>
    %add3A_275 = arith.addi %add3A_135, %add3A_274 : vector<16xi32>
    %swap3A_276 = arith.constant 2 : i32
    %swap3A_277 = arith.index_cast %swap3A_276 : i32 to index
    %swap3A_278 = arith.constant 16 : index
    %swap3A_279 = tpu.vector_load %arg6[%swap3A_277, %swap3A_278] {strides = array<i32>} : memref<16x128xi32, #tpu.memory_space<vmem>>, vector<16xi32>,
    tpu.vector_store %arg6[%swap3A_277, %swap3A_278], %add3A_275 {strides = array<i32>} : memref<16x128xi32, #tpu.memory_space<vmem>>, vector<16xi32>,
    %add3A_280 = arith.constant 8320 : i32
    %add3A_281 = vector.broadcast %add3A_280 : i32 to vector<16xi32>
    %add3A_282 = arith.addi %add3A_62, %add3A_281 : vector<16xi32>
    %swap3A_283 = arith.constant 2 : i32
    %swap3A_284 = arith.index_cast %swap3A_283 : i32 to index
    %swap3A_285 = arith.constant 32 : index
    %swap3A_286 = tpu.vector_load %arg6[%swap3A_284, %swap3A_285] {strides = array<i32>} : memref<16x128xi32, #tpu.memory_space<vmem>>, vector<16xi32>,
    tpu.vector_store %arg6[%swap3A_284, %swap3A_285], %add3A_282 {strides = array<i32>} : memref<16x128xi32, #tpu.memory_space<vmem>>, vector<16xi32>,
    %add3A_287 = arith.constant 8320 : i32
    %add3A_288 = vector.broadcast %add3A_287 : i32 to vector<16xi32>
    %add3A_289 = arith.addi %add3A_135, %add3A_288 : vector<16xi32>
    %swap3A_290 = arith.constant 2 : i32
    %swap3A_291 = arith.index_cast %swap3A_290 : i32 to index
    %swap3A_292 = arith.constant 48 : index
    %swap3A_293 = tpu.vector_load %arg6[%swap3A_291, %swap3A_292] {strides = array<i32>} : memref<16x128xi32, #tpu.memory_space<vmem>>, vector<16xi32>,
    tpu.vector_store %arg6[%swap3A_291, %swap3A_292], %add3A_289 {strides = array<i32>} : memref<16x128xi32, #tpu.memory_space<vmem>>, vector<16xi32>,
    %add3A_294 = arith.constant 8448 : i32
    %add3A_295 = vector.broadcast %add3A_294 : i32 to vector<16xi32>
    %add3A_296 = arith.addi %add3A_62, %add3A_295 : vector<16xi32>
    %swap3A_297 = arith.constant 2 : i32
    %swap3A_298 = arith.index_cast %swap3A_297 : i32 to index
    %swap3A_299 = arith.constant 64 : index
    %swap3A_300 = tpu.vector_load %arg6[%swap3A_298, %swap3A_299] {strides = array<i32>} : memref<16x128xi32, #tpu.memory_space<vmem>>, vector<16xi32>,
    tpu.vector_store %arg6[%swap3A_298, %swap3A_299], %add3A_296 {strides = array<i32>} : memref<16x128xi32, #tpu.memory_space<vmem>>, vector<16xi32>,
    %add3A_301 = arith.constant 8448 : i32
    %add3A_302 = vector.broadcast %add3A_301 : i32 to vector<16xi32>
    %add3A_303 = arith.addi %add3A_135, %add3A_302 : vector<16xi32>
    %swap3A_304 = arith.constant 2 : i32
    %swap3A_305 = arith.index_cast %swap3A_304 : i32 to index
    %swap3A_306 = arith.constant 80 : index
    %swap3A_307 = tpu.vector_load %arg6[%swap3A_305, %swap3A_306] {strides = array<i32>} : memref<16x128xi32, #tpu.memory_space<vmem>>, vector<16xi32>,
    tpu.vector_store %arg6[%swap3A_305, %swap3A_306], %add3A_303 {strides = array<i32>} : memref<16x128xi32, #tpu.memory_space<vmem>>, vector<16xi32>,
    %add3A_308 = arith.constant 8576 : i32
    %add3A_309 = vector.broadcast %add3A_308 : i32 to vector<16xi32>
    %add3A_310 = arith.addi %add3A_62, %add3A_309 : vector<16xi32>
    %swap3A_311 = arith.constant 2 : i32
    %swap3A_312 = arith.index_cast %swap3A_311 : i32 to index
    %swap3A_313 = arith.constant 96 : index
    %swap3A_314 = tpu.vector_load %arg6[%swap3A_312, %swap3A_313] {strides = array<i32>} : memref<16x128xi32, #tpu.memory_space<vmem>>, vector<16xi32>,
    tpu.vector_store %arg6[%swap3A_312, %swap3A_313], %add3A_310 {strides = array<i32>} : memref<16x128xi32, #tpu.memory_space<vmem>>, vector<16xi32>,
    %add3A_315 = arith.constant 8576 : i32
    %add3A_316 = vector.broadcast %add3A_315 : i32 to vector<16xi32>
    %add3A_317 = arith.addi %add3A_135, %add3A_316 : vector<16xi32>
    %swap3A_318 = arith.constant 2 : i32
    %swap3A_319 = arith.index_cast %swap3A_318 : i32 to index
    %swap3A_320 = arith.constant 112 : index
    %swap3A_321 = tpu.vector_load %arg6[%swap3A_319, %swap3A_320] {strides = array<i32>} : memref<16x128xi32, #tpu.memory_space<vmem>>, vector<16xi32>,
    tpu.vector_store %arg6[%swap3A_319, %swap3A_320], %add3A_317 {strides = array<i32>} : memref<16x128xi32, #tpu.memory_space<vmem>>, vector<16xi32>,
    %dma_start3A_322 = arith.constant 2 : i32
    %dma_start3A_323 = arith.constant 2 : i32
    %dma_start3A_324 = arith.constant 0 : i32
    %dma_start3A_325 = tpu.memref_slice %arg7[%dma_start3A_323, %dma_start3A_324] : memref<16x128xf32, #tpu.memory_space<vmem>> -> memref<1x128xf32, #tpu.memory_space<vmem>>
    %dma_start3A_326 = tpu.memref_squeeze %dma_start3A_325 : memref<1x128xf32, #tpu.memory_space<vmem>> -> memref<128xf32, #tpu.memory_space<vmem>>
    %dma_start3A_327 = arith.constant 0 : i32
    %dma_start3A_328 = tpu.memref_slice %arg6[%dma_start3A_322, %dma_start3A_327] : memref<16x128xi32, #tpu.memory_space<vmem>> -> memref<1x128xi32, #tpu.memory_space<vmem>>
    %dma_start3A_329 = tpu.memref_squeeze %dma_start3A_328 : memref<1x128xi32, #tpu.memory_space<vmem>> -> memref<128xi32, #tpu.memory_space<vmem>>
    %dma_start3A_330 = arith.constant 0 : i32
    %dma_start3A_331 = tpu.memref_slice %arg3[%dma_start3A_330] : memref<65536000xf32, #tpu.memory_space<hbm>> -> memref<65536000xf32, #tpu.memory_space<hbm>>
    tpu.enqueue_indirect_dma source(%dma_start3A_331 : memref<65536000xf32, #tpu.memory_space<hbm>>) target(%dma_start3A_326 : memref<128xf32, #tpu.memory_space<vmem>>) offsets(%dma_start3A_329 : memref<128xi32, #tpu.memory_space<vmem>>) semaphore(%arg8 : memref<!tpu.dma_semaphore, #tpu.memory_space<semaphore_mem>>)
    %add3A_332 = arith.constant 8704 : i32
    %add3A_333 = vector.broadcast %add3A_332 : i32 to vector<16xi32>
    %add3A_334 = arith.addi %add3A_62, %add3A_333 : vector<16xi32>
    %swap3A_335 = arith.constant 3 : i32
    %swap3A_336 = arith.index_cast %swap3A_335 : i32 to index
    %swap3A_337 = arith.constant 0 : index
    %swap3A_338 = tpu.vector_load %arg6[%swap3A_336, %swap3A_337] {strides = array<i32>} : memref<16x128xi32, #tpu.memory_space<vmem>>, vector<16xi32>,
    tpu.vector_store %arg6[%swap3A_336, %swap3A_337], %add3A_334 {strides = array<i32>} : memref<16x128xi32, #tpu.memory_space<vmem>>, vector<16xi32>,
    %add3A_339 = arith.constant 8704 : i32
    %add3A_340 = vector.broadcast %add3A_339 : i32 to vector<16xi32>
    %add3A_341 = arith.addi %add3A_135, %add3A_340 : vector<16xi32>
    %swap3A_342 = arith.constant 3 : i32
    %swap3A_343 = arith.index_cast %swap3A_342 : i32 to index
    %swap3A_344 = arith.constant 16 : index
    %swap3A_345 = tpu.vector_load %arg6[%swap3A_343, %swap3A_344] {strides = array<i32>} : memref<16x128xi32, #tpu.memory_space<vmem>>, vector<16xi32>,
    tpu.vector_store %arg6[%swap3A_343, %swap3A_344], %add3A_341 {strides = array<i32>} : memref<16x128xi32, #tpu.memory_space<vmem>>, vector<16xi32>,
    %add3A_346 = arith.constant 8832 : i32
    %add3A_347 = vector.broadcast %add3A_346 : i32 to vector<16xi32>
    %add3A_348 = arith.addi %add3A_62, %add3A_347 : vector<16xi32>
    %swap3A_349 = arith.constant 3 : i32
    %swap3A_350 = arith.index_cast %swap3A_349 : i32 to index
    %swap3A_351 = arith.constant 32 : index
    %swap3A_352 = tpu.vector_load %arg6[%swap3A_350, %swap3A_351] {strides = array<i32>} : memref<16x128xi32, #tpu.memory_space<vmem>>, vector<16xi32>,
    tpu.vector_store %arg6[%swap3A_350, %swap3A_351], %add3A_348 {strides = array<i32>} : memref<16x128xi32, #tpu.memory_space<vmem>>, vector<16xi32>,
    %add3A_353 = arith.constant 8832 : i32
    %add3A_354 = vector.broadcast %add3A_353 : i32 to vector<16xi32>
    %add3A_355 = arith.addi %add3A_135, %add3A_354 : vector<16xi32>
    %swap3A_356 = arith.constant 3 : i32
    %swap3A_357 = arith.index_cast %swap3A_356 : i32 to index
    %swap3A_358 = arith.constant 48 : index
    %swap3A_359 = tpu.vector_load %arg6[%swap3A_357, %swap3A_358] {strides = array<i32>} : memref<16x128xi32, #tpu.memory_space<vmem>>, vector<16xi32>,
    tpu.vector_store %arg6[%swap3A_357, %swap3A_358], %add3A_355 {strides = array<i32>} : memref<16x128xi32, #tpu.memory_space<vmem>>, vector<16xi32>,
    %add3A_360 = arith.constant 8960 : i32
    %add3A_361 = vector.broadcast %add3A_360 : i32 to vector<16xi32>
    %add3A_362 = arith.addi %add3A_62, %add3A_361 : vector<16xi32>
    %swap3A_363 = arith.constant 3 : i32
    %swap3A_364 = arith.index_cast %swap3A_363 : i32 to index
    %swap3A_365 = arith.constant 64 : index
    %swap3A_366 = tpu.vector_load %arg6[%swap3A_364, %swap3A_365] {strides = array<i32>} : memref<16x128xi32, #tpu.memory_space<vmem>>, vector<16xi32>,
    tpu.vector_store %arg6[%swap3A_364, %swap3A_365], %add3A_362 {strides = array<i32>} : memref<16x128xi32, #tpu.memory_space<vmem>>, vector<16xi32>,
    %add3A_367 = arith.constant 8960 : i32
    %add3A_368 = vector.broadcast %add3A_367 : i32 to vector<16xi32>
    %add3A_369 = arith.addi %add3A_135, %add3A_368 : vector<16xi32>
    %swap3A_370 = arith.constant 3 : i32
    %swap3A_371 = arith.index_cast %swap3A_370 : i32 to index
    %swap3A_372 = arith.constant 80 : index
    %swap3A_373 = tpu.vector_load %arg6[%swap3A_371, %swap3A_372] {strides = array<i32>} : memref<16x128xi32, #tpu.memory_space<vmem>>, vector<16xi32>,
    tpu.vector_store %arg6[%swap3A_371, %swap3A_372], %add3A_369 {strides = array<i32>} : memref<16x128xi32, #tpu.memory_space<vmem>>, vector<16xi32>,
    %add3A_374 = arith.constant 9088 : i32
    %add3A_375 = vector.broadcast %add3A_374 : i32 to vector<16xi32>
    %add3A_376 = arith.addi %add3A_62, %add3A_375 : vector<16xi32>
    %swap3A_377 = arith.constant 3 : i32
    %swap3A_378 = arith.index_cast %swap3A_377 : i32 to index
    %swap3A_379 = arith.constant 96 : index
    %swap3A_380 = tpu.vector_load %arg6[%swap3A_378, %swap3A_379] {strides = array<i32>} : memref<16x128xi32, #tpu.memory_space<vmem>>, vector<16xi32>,
    tpu.vector_store %arg6[%swap3A_378, %swap3A_379], %add3A_376 {strides = array<i32>} : memref<16x128xi32, #tpu.memory_space<vmem>>, vector<16xi32>,
    %add3A_381 = arith.constant 9088 : i32
    %add3A_382 = vector.broadcast %add3A_381 : i32 to vector<16xi32>
    %add3A_383 = arith.addi %add3A_135, %add3A_382 : vector<16xi32>
    %swap3A_384 = arith.constant 3 : i32
    %swap3A_385 = arith.index_cast %swap3A_384 : i32 to index
    %swap3A_386 = arith.constant 112 : index
    %swap3A_387 = tpu.vector_load %arg6[%swap3A_385, %swap3A_386] {strides = array<i32>} : memref<16x128xi32, #tpu.memory_space<vmem>>, vector<16xi32>,
    tpu.vector_store %arg6[%swap3A_385, %swap3A_386], %add3A_383 {strides = array<i32>} : memref<16x128xi32, #tpu.memory_space<vmem>>, vector<16xi32>,
    %dma_start3A_388 = arith.constant 3 : i32
    %dma_start3A_389 = arith.constant 3 : i32
    %dma_start3A_390 = arith.constant 0 : i32
    %dma_start3A_391 = tpu.memref_slice %arg7[%dma_start3A_389, %dma_start3A_390] : memref<16x128xf32, #tpu.memory_space<vmem>> -> memref<1x128xf32, #tpu.memory_space<vmem>>
    %dma_start3A_392 = tpu.memref_squeeze %dma_start3A_391 : memref<1x128xf32, #tpu.memory_space<vmem>> -> memref<128xf32, #tpu.memory_space<vmem>>
    %dma_start3A_393 = arith.constant 0 : i32
    %dma_start3A_394 = tpu.memref_slice %arg6[%dma_start3A_388, %dma_start3A_393] : memref<16x128xi32, #tpu.memory_space<vmem>> -> memref<1x128xi32, #tpu.memory_space<vmem>>
    %dma_start3A_395 = tpu.memref_squeeze %dma_start3A_394 : memref<1x128xi32, #tpu.memory_space<vmem>> -> memref<128xi32, #tpu.memory_space<vmem>>
    %dma_start3A_396 = arith.constant 0 : i32
    %dma_start3A_397 = tpu.memref_slice %arg3[%dma_start3A_396] : memref<65536000xf32, #tpu.memory_space<hbm>> -> memref<65536000xf32, #tpu.memory_space<hbm>>
    tpu.enqueue_indirect_dma source(%dma_start3A_397 : memref<65536000xf32, #tpu.memory_space<hbm>>) target(%dma_start3A_392 : memref<128xf32, #tpu.memory_space<vmem>>) offsets(%dma_start3A_395 : memref<128xi32, #tpu.memory_space<vmem>>) semaphore(%arg8 : memref<!tpu.dma_semaphore, #tpu.memory_space<semaphore_mem>>)
    %add3A_398 = arith.constant 16384 : i32
    %add3A_399 = vector.broadcast %add3A_398 : i32 to vector<16xi32>
    %add3A_400 = arith.addi %add3A_62, %add3A_399 : vector<16xi32>
    %swap3A_401 = arith.constant 4 : i32
    %swap3A_402 = arith.index_cast %swap3A_401 : i32 to index
    %swap3A_403 = arith.constant 0 : index
    %swap3A_404 = tpu.vector_load %arg6[%swap3A_402, %swap3A_403] {strides = array<i32>} : memref<16x128xi32, #tpu.memory_space<vmem>>, vector<16xi32>,
    tpu.vector_store %arg6[%swap3A_402, %swap3A_403], %add3A_400 {strides = array<i32>} : memref<16x128xi32, #tpu.memory_space<vmem>>, vector<16xi32>,
    %add3A_405 = arith.constant 16384 : i32
    %add3A_406 = vector.broadcast %add3A_405 : i32 to vector<16xi32>
    %add3A_407 = arith.addi %add3A_135, %add3A_406 : vector<16xi32>
    %swap3A_408 = arith.constant 4 : i32
    %swap3A_409 = arith.index_cast %swap3A_408 : i32 to index
    %swap3A_410 = arith.constant 16 : index
    %swap3A_411 = tpu.vector_load %arg6[%swap3A_409, %swap3A_410] {strides = array<i32>} : memref<16x128xi32, #tpu.memory_space<vmem>>, vector<16xi32>,
    tpu.vector_store %arg6[%swap3A_409, %swap3A_410], %add3A_407 {strides = array<i32>} : memref<16x128xi32, #tpu.memory_space<vmem>>, vector<16xi32>,
    %add3A_412 = arith.constant 16512 : i32
    %add3A_413 = vector.broadcast %add3A_412 : i32 to vector<16xi32>
    %add3A_414 = arith.addi %add3A_62, %add3A_413 : vector<16xi32>
    %swap3A_415 = arith.constant 4 : i32
    %swap3A_416 = arith.index_cast %swap3A_415 : i32 to index
    %swap3A_417 = arith.constant 32 : index
    %swap3A_418 = tpu.vector_load %arg6[%swap3A_416, %swap3A_417] {strides = array<i32>} : memref<16x128xi32, #tpu.memory_space<vmem>>, vector<16xi32>,
    tpu.vector_store %arg6[%swap3A_416, %swap3A_417], %add3A_414 {strides = array<i32>} : memref<16x128xi32, #tpu.memory_space<vmem>>, vector<16xi32>,
    %add3A_419 = arith.constant 16512 : i32
    %add3A_420 = vector.broadcast %add3A_419 : i32 to vector<16xi32>
    %add3A_421 = arith.addi %add3A_135, %add3A_420 : vector<16xi32>
    %swap3A_422 = arith.constant 4 : i32
    %swap3A_423 = arith.index_cast %swap3A_422 : i32 to index
    %swap3A_424 = arith.constant 48 : index
    %swap3A_425 = tpu.vector_load %arg6[%swap3A_423, %swap3A_424] {strides = array<i32>} : memref<16x128xi32, #tpu.memory_space<vmem>>, vector<16xi32>,
    tpu.vector_store %arg6[%swap3A_423, %swap3A_424], %add3A_421 {strides = array<i32>} : memref<16x128xi32, #tpu.memory_space<vmem>>, vector<16xi32>,
    %add3A_426 = arith.constant 16640 : i32
    %add3A_427 = vector.broadcast %add3A_426 : i32 to vector<16xi32>
    %add3A_428 = arith.addi %add3A_62, %add3A_427 : vector<16xi32>
    %swap3A_429 = arith.constant 4 : i32
    %swap3A_430 = arith.index_cast %swap3A_429 : i32 to index
    %swap3A_431 = arith.constant 64 : index
    %swap3A_432 = tpu.vector_load %arg6[%swap3A_430, %swap3A_431] {strides = array<i32>} : memref<16x128xi32, #tpu.memory_space<vmem>>, vector<16xi32>,
    tpu.vector_store %arg6[%swap3A_430, %swap3A_431], %add3A_428 {strides = array<i32>} : memref<16x128xi32, #tpu.memory_space<vmem>>, vector<16xi32>,
    %add3A_433 = arith.constant 16640 : i32
    %add3A_434 = vector.broadcast %add3A_433 : i32 to vector<16xi32>
    %add3A_435 = arith.addi %add3A_135, %add3A_434 : vector<16xi32>
    %swap3A_436 = arith.constant 4 : i32
    %swap3A_437 = arith.index_cast %swap3A_436 : i32 to index
    %swap3A_438 = arith.constant 80 : index
    %swap3A_439 = tpu.vector_load %arg6[%swap3A_437, %swap3A_438] {strides = array<i32>} : memref<16x128xi32, #tpu.memory_space<vmem>>, vector<16xi32>,
    tpu.vector_store %arg6[%swap3A_437, %swap3A_438], %add3A_435 {strides = array<i32>} : memref<16x128xi32, #tpu.memory_space<vmem>>, vector<16xi32>,
    %add3A_440 = arith.constant 16768 : i32
    %add3A_441 = vector.broadcast %add3A_440 : i32 to vector<16xi32>
    %add3A_442 = arith.addi %add3A_62, %add3A_441 : vector<16xi32>
    %swap3A_443 = arith.constant 4 : i32
    %swap3A_444 = arith.index_cast %swap3A_443 : i32 to index
    %swap3A_445 = arith.constant 96 : index
    %swap3A_446 = tpu.vector_load %arg6[%swap3A_444, %swap3A_445] {strides = array<i32>} : memref<16x128xi32, #tpu.memory_space<vmem>>, vector<16xi32>,
    tpu.vector_store %arg6[%swap3A_444, %swap3A_445], %add3A_442 {strides = array<i32>} : memref<16x128xi32, #tpu.memory_space<vmem>>, vector<16xi32>,
    %add3A_447 = arith.constant 16768 : i32
    %add3A_448 = vector.broadcast %add3A_447 : i32 to vector<16xi32>
    %add3A_449 = arith.addi %add3A_135, %add3A_448 : vector<16xi32>
    %swap3A_450 = arith.constant 4 : i32
    %swap3A_451 = arith.index_cast %swap3A_450 : i32 to index
    %swap3A_452 = arith.constant 112 : index
    %swap3A_453 = tpu.vector_load %arg6[%swap3A_451, %swap3A_452] {strides = array<i32>} : memref<16x128xi32, #tpu.memory_space<vmem>>, vector<16xi32>,
    tpu.vector_store %arg6[%swap3A_451, %swap3A_452], %add3A_449 {strides = array<i32>} : memref<16x128xi32, #tpu.memory_space<vmem>>, vector<16xi32>,
    %dma_start3A_454 = arith.constant 4 : i32
    %dma_start3A_455 = arith.constant 4 : i32
    %dma_start3A_456 = arith.constant 0 : i32
    %dma_start3A_457 = tpu.memref_slice %arg7[%dma_start3A_455, %dma_start3A_456] : memref<16x128xf32, #tpu.memory_space<vmem>> -> memref<1x128xf32, #tpu.memory_space<vmem>>
    %dma_start3A_458 = tpu.memref_squeeze %dma_start3A_457 : memref<1x128xf32, #tpu.memory_space<vmem>> -> memref<128xf32, #tpu.memory_space<vmem>>
    %dma_start3A_459 = arith.constant 0 : i32
    %dma_start3A_460 = tpu.memref_slice %arg6[%dma_start3A_454, %dma_start3A_459] : memref<16x128xi32, #tpu.memory_space<vmem>> -> memref<1x128xi32, #tpu.memory_space<vmem>>
    %dma_start3A_461 = tpu.memref_squeeze %dma_start3A_460 : memref<1x128xi32, #tpu.memory_space<vmem>> -> memref<128xi32, #tpu.memory_space<vmem>>
    %dma_start3A_462 = arith.constant 0 : i32
    %dma_start3A_463 = tpu.memref_slice %arg3[%dma_start3A_462] : memref<65536000xf32, #tpu.memory_space<hbm>> -> memref<65536000xf32, #tpu.memory_space<hbm>>
    tpu.enqueue_indirect_dma source(%dma_start3A_463 : memref<65536000xf32, #tpu.memory_space<hbm>>) target(%dma_start3A_458 : memref<128xf32, #tpu.memory_space<vmem>>) offsets(%dma_start3A_461 : memref<128xi32, #tpu.memory_space<vmem>>) semaphore(%arg8 : memref<!tpu.dma_semaphore, #tpu.memory_space<semaphore_mem>>)
    %add3A_464 = arith.constant 16896 : i32
    %add3A_465 = vector.broadcast %add3A_464 : i32 to vector<16xi32>
    %add3A_466 = arith.addi %add3A_62, %add3A_465 : vector<16xi32>
    %swap3A_467 = arith.constant 5 : i32
    %swap3A_468 = arith.index_cast %swap3A_467 : i32 to index
    %swap3A_469 = arith.constant 0 : index
    %swap3A_470 = tpu.vector_load %arg6[%swap3A_468, %swap3A_469] {strides = array<i32>} : memref<16x128xi32, #tpu.memory_space<vmem>>, vector<16xi32>,
    tpu.vector_store %arg6[%swap3A_468, %swap3A_469], %add3A_466 {strides = array<i32>} : memref<16x128xi32, #tpu.memory_space<vmem>>, vector<16xi32>,
    %add3A_471 = arith.constant 16896 : i32
    %add3A_472 = vector.broadcast %add3A_471 : i32 to vector<16xi32>
    %add3A_473 = arith.addi %add3A_135, %add3A_472 : vector<16xi32>
    %swap3A_474 = arith.constant 5 : i32
    %swap3A_475 = arith.index_cast %swap3A_474 : i32 to index
    %swap3A_476 = arith.constant 16 : index
    %swap3A_477 = tpu.vector_load %arg6[%swap3A_475, %swap3A_476] {strides = array<i32>} : memref<16x128xi32, #tpu.memory_space<vmem>>, vector<16xi32>,
    tpu.vector_store %arg6[%swap3A_475, %swap3A_476], %add3A_473 {strides = array<i32>} : memref<16x128xi32, #tpu.memory_space<vmem>>, vector<16xi32>,
    %add3A_478 = arith.constant 17024 : i32
    %add3A_479 = vector.broadcast %add3A_478 : i32 to vector<16xi32>
    %add3A_480 = arith.addi %add3A_62, %add3A_479 : vector<16xi32>
    %swap3A_481 = arith.constant 5 : i32
    %swap3A_482 = arith.index_cast %swap3A_481 : i32 to index
    %swap3A_483 = arith.constant 32 : index
    %swap3A_484 = tpu.vector_load %arg6[%swap3A_482, %swap3A_483] {strides = array<i32>} : memref<16x128xi32, #tpu.memory_space<vmem>>, vector<16xi32>,
    tpu.vector_store %arg6[%swap3A_482, %swap3A_483], %add3A_480 {strides = array<i32>} : memref<16x128xi32, #tpu.memory_space<vmem>>, vector<16xi32>,
    %add3A_485 = arith.constant 17024 : i32
    %add3A_486 = vector.broadcast %add3A_485 : i32 to vector<16xi32>
    %add3A_487 = arith.addi %add3A_135, %add3A_486 : vector<16xi32>
    %swap3A_488 = arith.constant 5 : i32
    %swap3A_489 = arith.index_cast %swap3A_488 : i32 to index
    %swap3A_490 = arith.constant 48 : index
    %swap3A_491 = tpu.vector_load %arg6[%swap3A_489, %swap3A_490] {strides = array<i32>} : memref<16x128xi32, #tpu.memory_space<vmem>>, vector<16xi32>,
    tpu.vector_store %arg6[%swap3A_489, %swap3A_490], %add3A_487 {strides = array<i32>} : memref<16x128xi32, #tpu.memory_space<vmem>>, vector<16xi32>,
    %add3A_492 = arith.constant 17152 : i32
    %add3A_493 = vector.broadcast %add3A_492 : i32 to vector<16xi32>
    %add3A_494 = arith.addi %add3A_62, %add3A_493 : vector<16xi32>
    %swap3A_495 = arith.constant 5 : i32
    %swap3A_496 = arith.index_cast %swap3A_495 : i32 to index
    %swap3A_497 = arith.constant 64 : index
    %swap3A_498 = tpu.vector_load %arg6[%swap3A_496, %swap3A_497] {strides = array<i32>} : memref<16x128xi32, #tpu.memory_space<vmem>>, vector<16xi32>,
    tpu.vector_store %arg6[%swap3A_496, %swap3A_497], %add3A_494 {strides = array<i32>} : memref<16x128xi32, #tpu.memory_space<vmem>>, vector<16xi32>,
    %add3A_499 = arith.constant 17152 : i32
    %add3A_500 = vector.broadcast %add3A_499 : i32 to vector<16xi32>
    %add3A_501 = arith.addi %add3A_135, %add3A_500 : vector<16xi32>
    %swap3A_502 = arith.constant 5 : i32
    %swap3A_503 = arith.index_cast %swap3A_502 : i32 to index
    %swap3A_504 = arith.constant 80 : index
    %swap3A_505 = tpu.vector_load %arg6[%swap3A_503, %swap3A_504] {strides = array<i32>} : memref<16x128xi32, #tpu.memory_space<vmem>>, vector<16xi32>,
    tpu.vector_store %arg6[%swap3A_503, %swap3A_504], %add3A_501 {strides = array<i32>} : memref<16x128xi32, #tpu.memory_space<vmem>>, vector<16xi32>,
    %add3A_506 = arith.constant 17280 : i32
    %add3A_507 = vector.broadcast %add3A_506 : i32 to vector<16xi32>
    %add3A_508 = arith.addi %add3A_62, %add3A_507 : vector<16xi32>
    %swap3A_509 = arith.constant 5 : i32
    %swap3A_510 = arith.index_cast %swap3A_509 : i32 to index
    %swap3A_511 = arith.constant 96 : index
    %swap3A_512 = tpu.vector_load %arg6[%swap3A_510, %swap3A_511] {strides = array<i32>} : memref<16x128xi32, #tpu.memory_space<vmem>>, vector<16xi32>,
    tpu.vector_store %arg6[%swap3A_510, %swap3A_511], %add3A_508 {strides = array<i32>} : memref<16x128xi32, #tpu.memory_space<vmem>>, vector<16xi32>,
    %add3A_513 = arith.constant 17280 : i32
    %add3A_514 = vector.broadcast %add3A_513 : i32 to vector<16xi32>
    %add3A_515 = arith.addi %add3A_135, %add3A_514 : vector<16xi32>
    %swap3A_516 = arith.constant 5 : i32
    %swap3A_517 = arith.index_cast %swap3A_516 : i32 to index
    %swap3A_518 = arith.constant 112 : index
    %swap3A_519 = tpu.vector_load %arg6[%swap3A_517, %swap3A_518] {strides = array<i32>} : memref<16x128xi32, #tpu.memory_space<vmem>>, vector<16xi32>,
    tpu.vector_store %arg6[%swap3A_517, %swap3A_518], %add3A_515 {strides = array<i32>} : memref<16x128xi32, #tpu.memory_space<vmem>>, vector<16xi32>,
    %dma_start3A_520 = arith.constant 5 : i32
    %dma_start3A_521 = arith.constant 5 : i32
    %dma_start3A_522 = arith.constant 0 : i32
    %dma_start3A_523 = tpu.memref_slice %arg7[%dma_start3A_521, %dma_start3A_522] : memref<16x128xf32, #tpu.memory_space<vmem>> -> memref<1x128xf32, #tpu.memory_space<vmem>>
    %dma_start3A_524 = tpu.memref_squeeze %dma_start3A_523 : memref<1x128xf32, #tpu.memory_space<vmem>> -> memref<128xf32, #tpu.memory_space<vmem>>
    %dma_start3A_525 = arith.constant 0 : i32
    %dma_start3A_526 = tpu.memref_slice %arg6[%dma_start3A_520, %dma_start3A_525] : memref<16x128xi32, #tpu.memory_space<vmem>> -> memref<1x128xi32, #tpu.memory_space<vmem>>
    %dma_start3A_527 = tpu.memref_squeeze %dma_start3A_526 : memref<1x128xi32, #tpu.memory_space<vmem>> -> memref<128xi32, #tpu.memory_space<vmem>>
    %dma_start3A_528 = arith.constant 0 : i32
    %dma_start3A_529 = tpu.memref_slice %arg3[%dma_start3A_528] : memref<65536000xf32, #tpu.memory_space<hbm>> -> memref<65536000xf32, #tpu.memory_space<hbm>>
    tpu.enqueue_indirect_dma source(%dma_start3A_529 : memref<65536000xf32, #tpu.memory_space<hbm>>) target(%dma_start3A_524 : memref<128xf32, #tpu.memory_space<vmem>>) offsets(%dma_start3A_527 : memref<128xi32, #tpu.memory_space<vmem>>) semaphore(%arg8 : memref<!tpu.dma_semaphore, #tpu.memory_space<semaphore_mem>>)
    %add3A_530 = arith.constant 24576 : i32
    %add3A_531 = vector.broadcast %add3A_530 : i32 to vector<16xi32>
    %add3A_532 = arith.addi %add3A_62, %add3A_531 : vector<16xi32>
    %swap3A_533 = arith.constant 6 : i32
    %swap3A_534 = arith.index_cast %swap3A_533 : i32 to index
    %swap3A_535 = arith.constant 0 : index
    %swap3A_536 = tpu.vector_load %arg6[%swap3A_534, %swap3A_535] {strides = array<i32>} : memref<16x128xi32, #tpu.memory_space<vmem>>, vector<16xi32>,
    tpu.vector_store %arg6[%swap3A_534, %swap3A_535], %add3A_532 {strides = array<i32>} : memref<16x128xi32, #tpu.memory_space<vmem>>, vector<16xi32>,
    %add3A_537 = arith.constant 24576 : i32
    %add3A_538 = vector.broadcast %add3A_537 : i32 to vector<16xi32>
    %add3A_539 = arith.addi %add3A_135, %add3A_538 : vector<16xi32>
    %swap3A_540 = arith.constant 6 : i32
    %swap3A_541 = arith.index_cast %swap3A_540 : i32 to index
    %swap3A_542 = arith.constant 16 : index
    %swap3A_543 = tpu.vector_load %arg6[%swap3A_541, %swap3A_542] {strides = array<i32>} : memref<16x128xi32, #tpu.memory_space<vmem>>, vector<16xi32>,
    tpu.vector_store %arg6[%swap3A_541, %swap3A_542], %add3A_539 {strides = array<i32>} : memref<16x128xi32, #tpu.memory_space<vmem>>, vector<16xi32>,
    %add3A_544 = arith.constant 24704 : i32
    %add3A_545 = vector.broadcast %add3A_544 : i32 to vector<16xi32>
    %add3A_546 = arith.addi %add3A_62, %add3A_545 : vector<16xi32>
    %swap3A_547 = arith.constant 6 : i32
    %swap3A_548 = arith.index_cast %swap3A_547 : i32 to index
    %swap3A_549 = arith.constant 32 : index
    %swap3A_550 = tpu.vector_load %arg6[%swap3A_548, %swap3A_549] {strides = array<i32>} : memref<16x128xi32, #tpu.memory_space<vmem>>, vector<16xi32>,
    tpu.vector_store %arg6[%swap3A_548, %swap3A_549], %add3A_546 {strides = array<i32>} : memref<16x128xi32, #tpu.memory_space<vmem>>, vector<16xi32>,
    %add3A_551 = arith.constant 24704 : i32
    %add3A_552 = vector.broadcast %add3A_551 : i32 to vector<16xi32>
    %add3A_553 = arith.addi %add3A_135, %add3A_552 : vector<16xi32>
    %swap3A_554 = arith.constant 6 : i32
    %swap3A_555 = arith.index_cast %swap3A_554 : i32 to index
    %swap3A_556 = arith.constant 48 : index
    %swap3A_557 = tpu.vector_load %arg6[%swap3A_555, %swap3A_556] {strides = array<i32>} : memref<16x128xi32, #tpu.memory_space<vmem>>, vector<16xi32>,
    tpu.vector_store %arg6[%swap3A_555, %swap3A_556], %add3A_553 {strides = array<i32>} : memref<16x128xi32, #tpu.memory_space<vmem>>, vector<16xi32>,
    %add3A_558 = arith.constant 24832 : i32
    %add3A_559 = vector.broadcast %add3A_558 : i32 to vector<16xi32>
    %add3A_560 = arith.addi %add3A_62, %add3A_559 : vector<16xi32>
    %swap3A_561 = arith.constant 6 : i32
    %swap3A_562 = arith.index_cast %swap3A_561 : i32 to index
    %swap3A_563 = arith.constant 64 : index
    %swap3A_564 = tpu.vector_load %arg6[%swap3A_562, %swap3A_563] {strides = array<i32>} : memref<16x128xi32, #tpu.memory_space<vmem>>, vector<16xi32>,
    tpu.vector_store %arg6[%swap3A_562, %swap3A_563], %add3A_560 {strides = array<i32>} : memref<16x128xi32, #tpu.memory_space<vmem>>, vector<16xi32>,
    %add3A_565 = arith.constant 24832 : i32
    %add3A_566 = vector.broadcast %add3A_565 : i32 to vector<16xi32>
    %add3A_567 = arith.addi %add3A_135, %add3A_566 : vector<16xi32>
    %swap3A_568 = arith.constant 6 : i32
    %swap3A_569 = arith.index_cast %swap3A_568 : i32 to index
    %swap3A_570 = arith.constant 80 : index
    %swap3A_571 = tpu.vector_load %arg6[%swap3A_569, %swap3A_570] {strides = array<i32>} : memref<16x128xi32, #tpu.memory_space<vmem>>, vector<16xi32>,
    tpu.vector_store %arg6[%swap3A_569, %swap3A_570], %add3A_567 {strides = array<i32>} : memref<16x128xi32, #tpu.memory_space<vmem>>, vector<16xi32>,
    %add3A_572 = arith.constant 24960 : i32
    %add3A_573 = vector.broadcast %add3A_572 : i32 to vector<16xi32>
    %add3A_574 = arith.addi %add3A_62, %add3A_573 : vector<16xi32>
    %swap3A_575 = arith.constant 6 : i32
    %swap3A_576 = arith.index_cast %swap3A_575 : i32 to index
    %swap3A_577 = arith.constant 96 : index
    %swap3A_578 = tpu.vector_load %arg6[%swap3A_576, %swap3A_577] {strides = array<i32>} : memref<16x128xi32, #tpu.memory_space<vmem>>, vector<16xi32>,
    tpu.vector_store %arg6[%swap3A_576, %swap3A_577], %add3A_574 {strides = array<i32>} : memref<16x128xi32, #tpu.memory_space<vmem>>, vector<16xi32>,
    %add3A_579 = arith.constant 24960 : i32
    %add3A_580 = vector.broadcast %add3A_579 : i32 to vector<16xi32>
    %add3A_581 = arith.addi %add3A_135, %add3A_580 : vector<16xi32>
    %swap3A_582 = arith.constant 6 : i32
    %swap3A_583 = arith.index_cast %swap3A_582 : i32 to index
    %swap3A_584 = arith.constant 112 : index
    %swap3A_585 = tpu.vector_load %arg6[%swap3A_583, %swap3A_584] {strides = array<i32>} : memref<16x128xi32, #tpu.memory_space<vmem>>, vector<16xi32>,
    tpu.vector_store %arg6[%swap3A_583, %swap3A_584], %add3A_581 {strides = array<i32>} : memref<16x128xi32, #tpu.memory_space<vmem>>, vector<16xi32>,
    %dma_start3A_586 = arith.constant 6 : i32
    %dma_start3A_587 = arith.constant 6 : i32
    %dma_start3A_588 = arith.constant 0 : i32
    %dma_start3A_589 = tpu.memref_slice %arg7[%dma_start3A_587, %dma_start3A_588] : memref<16x128xf32, #tpu.memory_space<vmem>> -> memref<1x128xf32, #tpu.memory_space<vmem>>
    %dma_start3A_590 = tpu.memref_squeeze %dma_start3A_589 : memref<1x128xf32, #tpu.memory_space<vmem>> -> memref<128xf32, #tpu.memory_space<vmem>>
    %dma_start3A_591 = arith.constant 0 : i32
    %dma_start3A_592 = tpu.memref_slice %arg6[%dma_start3A_586, %dma_start3A_591] : memref<16x128xi32, #tpu.memory_space<vmem>> -> memref<1x128xi32, #tpu.memory_space<vmem>>
    %dma_start3A_593 = tpu.memref_squeeze %dma_start3A_592 : memref<1x128xi32, #tpu.memory_space<vmem>> -> memref<128xi32, #tpu.memory_space<vmem>>
    %dma_start3A_594 = arith.constant 0 : i32
    %dma_start3A_595 = tpu.memref_slice %arg3[%dma_start3A_594] : memref<65536000xf32, #tpu.memory_space<hbm>> -> memref<65536000xf32, #tpu.memory_space<hbm>>
    tpu.enqueue_indirect_dma source(%dma_start3A_595 : memref<65536000xf32, #tpu.memory_space<hbm>>) target(%dma_start3A_590 : memref<128xf32, #tpu.memory_space<vmem>>) offsets(%dma_start3A_593 : memref<128xi32, #tpu.memory_space<vmem>>) semaphore(%arg8 : memref<!tpu.dma_semaphore, #tpu.memory_space<semaphore_mem>>)
    %add3A_596 = arith.constant 25088 : i32
    %add3A_597 = vector.broadcast %add3A_596 : i32 to vector<16xi32>
    %add3A_598 = arith.addi %add3A_62, %add3A_597 : vector<16xi32>
    %swap3A_599 = arith.constant 7 : i32
    %swap3A_600 = arith.index_cast %swap3A_599 : i32 to index
    %swap3A_601 = arith.constant 0 : index
    %swap3A_602 = tpu.vector_load %arg6[%swap3A_600, %swap3A_601] {strides = array<i32>} : memref<16x128xi32, #tpu.memory_space<vmem>>, vector<16xi32>,
    tpu.vector_store %arg6[%swap3A_600, %swap3A_601], %add3A_598 {strides = array<i32>} : memref<16x128xi32, #tpu.memory_space<vmem>>, vector<16xi32>,
    %add3A_603 = arith.constant 25088 : i32
    %add3A_604 = vector.broadcast %add3A_603 : i32 to vector<16xi32>
    %add3A_605 = arith.addi %add3A_135, %add3A_604 : vector<16xi32>
    %swap3A_606 = arith.constant 7 : i32
    %swap3A_607 = arith.index_cast %swap3A_606 : i32 to index
    %swap3A_608 = arith.constant 16 : index
    %swap3A_609 = tpu.vector_load %arg6[%swap3A_607, %swap3A_608] {strides = array<i32>} : memref<16x128xi32, #tpu.memory_space<vmem>>, vector<16xi32>,
    tpu.vector_store %arg6[%swap3A_607, %swap3A_608], %add3A_605 {strides = array<i32>} : memref<16x128xi32, #tpu.memory_space<vmem>>, vector<16xi32>,
    %add3A_610 = arith.constant 25216 : i32
    %add3A_611 = vector.broadcast %add3A_610 : i32 to vector<16xi32>
    %add3A_612 = arith.addi %add3A_62, %add3A_611 : vector<16xi32>
    %swap3A_613 = arith.constant 7 : i32
    %swap3A_614 = arith.index_cast %swap3A_613 : i32 to index
    %swap3A_615 = arith.constant 32 : index
    %swap3A_616 = tpu.vector_load %arg6[%swap3A_614, %swap3A_615] {strides = array<i32>} : memref<16x128xi32, #tpu.memory_space<vmem>>, vector<16xi32>,
    tpu.vector_store %arg6[%swap3A_614, %swap3A_615], %add3A_612 {strides = array<i32>} : memref<16x128xi32, #tpu.memory_space<vmem>>, vector<16xi32>,
    %add3A_617 = arith.constant 25216 : i32
    %add3A_618 = vector.broadcast %add3A_617 : i32 to vector<16xi32>
    %add3A_619 = arith.addi %add3A_135, %add3A_618 : vector<16xi32>
    %swap3A_620 = arith.constant 7 : i32
    %swap3A_621 = arith.index_cast %swap3A_620 : i32 to index
    %swap3A_622 = arith.constant 48 : index
    %swap3A_623 = tpu.vector_load %arg6[%swap3A_621, %swap3A_622] {strides = array<i32>} : memref<16x128xi32, #tpu.memory_space<vmem>>, vector<16xi32>,
    tpu.vector_store %arg6[%swap3A_621, %swap3A_622], %add3A_619 {strides = array<i32>} : memref<16x128xi32, #tpu.memory_space<vmem>>, vector<16xi32>,
    %add3A_624 = arith.constant 25344 : i32
    %add3A_625 = vector.broadcast %add3A_624 : i32 to vector<16xi32>
    %add3A_626 = arith.addi %add3A_62, %add3A_625 : vector<16xi32>
    %swap3A_627 = arith.constant 7 : i32
    %swap3A_628 = arith.index_cast %swap3A_627 : i32 to index
    %swap3A_629 = arith.constant 64 : index
    %swap3A_630 = tpu.vector_load %arg6[%swap3A_628, %swap3A_629] {strides = array<i32>} : memref<16x128xi32, #tpu.memory_space<vmem>>, vector<16xi32>,
    tpu.vector_store %arg6[%swap3A_628, %swap3A_629], %add3A_626 {strides = array<i32>} : memref<16x128xi32, #tpu.memory_space<vmem>>, vector<16xi32>,
    %add3A_631 = arith.constant 25344 : i32
    %add3A_632 = vector.broadcast %add3A_631 : i32 to vector<16xi32>
    %add3A_633 = arith.addi %add3A_135, %add3A_632 : vector<16xi32>
    %swap3A_634 = arith.constant 7 : i32
    %swap3A_635 = arith.index_cast %swap3A_634 : i32 to index
    %swap3A_636 = arith.constant 80 : index
    %swap3A_637 = tpu.vector_load %arg6[%swap3A_635, %swap3A_636] {strides = array<i32>} : memref<16x128xi32, #tpu.memory_space<vmem>>, vector<16xi32>,
    tpu.vector_store %arg6[%swap3A_635, %swap3A_636], %add3A_633 {strides = array<i32>} : memref<16x128xi32, #tpu.memory_space<vmem>>, vector<16xi32>,
    %add3A_638 = arith.constant 25472 : i32
    %add3A_639 = vector.broadcast %add3A_638 : i32 to vector<16xi32>
    %add3A_640 = arith.addi %add3A_62, %add3A_639 : vector<16xi32>
    %swap3A_641 = arith.constant 7 : i32
    %swap3A_642 = arith.index_cast %swap3A_641 : i32 to index
    %swap3A_643 = arith.constant 96 : index
    %swap3A_644 = tpu.vector_load %arg6[%swap3A_642, %swap3A_643] {strides = array<i32>} : memref<16x128xi32, #tpu.memory_space<vmem>>, vector<16xi32>,
    tpu.vector_store %arg6[%swap3A_642, %swap3A_643], %add3A_640 {strides = array<i32>} : memref<16x128xi32, #tpu.memory_space<vmem>>, vector<16xi32>,
    %add3A_645 = arith.constant 25472 : i32
    %add3A_646 = vector.broadcast %add3A_645 : i32 to vector<16xi32>
    %add3A_647 = arith.addi %add3A_135, %add3A_646 : vector<16xi32>
    %swap3A_648 = arith.constant 7 : i32
    %swap3A_649 = arith.index_cast %swap3A_648 : i32 to index
    %swap3A_650 = arith.constant 112 : index
    %swap3A_651 = tpu.vector_load %arg6[%swap3A_649, %swap3A_650] {strides = array<i32>} : memref<16x128xi32, #tpu.memory_space<vmem>>, vector<16xi32>,
    tpu.vector_store %arg6[%swap3A_649, %swap3A_650], %add3A_647 {strides = array<i32>} : memref<16x128xi32, #tpu.memory_space<vmem>>, vector<16xi32>,
    %dma_start3A_652 = arith.constant 7 : i32
    %dma_start3A_653 = arith.constant 7 : i32
    %dma_start3A_654 = arith.constant 0 : i32
    %dma_start3A_655 = tpu.memref_slice %arg7[%dma_start3A_653, %dma_start3A_654] : memref<16x128xf32, #tpu.memory_space<vmem>> -> memref<1x128xf32, #tpu.memory_space<vmem>>
    %dma_start3A_656 = tpu.memref_squeeze %dma_start3A_655 : memref<1x128xf32, #tpu.memory_space<vmem>> -> memref<128xf32, #tpu.memory_space<vmem>>
    %dma_start3A_657 = arith.constant 0 : i32
    %dma_start3A_658 = tpu.memref_slice %arg6[%dma_start3A_652, %dma_start3A_657] : memref<16x128xi32, #tpu.memory_space<vmem>> -> memref<1x128xi32, #tpu.memory_space<vmem>>
    %dma_start3A_659 = tpu.memref_squeeze %dma_start3A_658 : memref<1x128xi32, #tpu.memory_space<vmem>> -> memref<128xi32, #tpu.memory_space<vmem>>
    %dma_start3A_660 = arith.constant 0 : i32
    %dma_start3A_661 = tpu.memref_slice %arg3[%dma_start3A_660] : memref<65536000xf32, #tpu.memory_space<hbm>> -> memref<65536000xf32, #tpu.memory_space<hbm>>
    tpu.enqueue_indirect_dma source(%dma_start3A_661 : memref<65536000xf32, #tpu.memory_space<hbm>>) target(%dma_start3A_656 : memref<128xf32, #tpu.memory_space<vmem>>) offsets(%dma_start3A_659 : memref<128xi32, #tpu.memory_space<vmem>>) semaphore(%arg8 : memref<!tpu.dma_semaphore, #tpu.memory_space<semaphore_mem>>)
    %add3A_662 = arith.constant 32768 : i32
    %add3A_663 = vector.broadcast %add3A_662 : i32 to vector<16xi32>
    %add3A_664 = arith.addi %add3A_62, %add3A_663 : vector<16xi32>
    %swap3A_665 = arith.constant 8 : i32
    %swap3A_666 = arith.index_cast %swap3A_665 : i32 to index
    %swap3A_667 = arith.constant 0 : index
    %swap3A_668 = tpu.vector_load %arg6[%swap3A_666, %swap3A_667] {strides = array<i32>} : memref<16x128xi32, #tpu.memory_space<vmem>>, vector<16xi32>,
    tpu.vector_store %arg6[%swap3A_666, %swap3A_667], %add3A_664 {strides = array<i32>} : memref<16x128xi32, #tpu.memory_space<vmem>>, vector<16xi32>,
    %add3A_669 = arith.constant 32768 : i32
    %add3A_670 = vector.broadcast %add3A_669 : i32 to vector<16xi32>
    %add3A_671 = arith.addi %add3A_135, %add3A_670 : vector<16xi32>
    %swap3A_672 = arith.constant 8 : i32
    %swap3A_673 = arith.index_cast %swap3A_672 : i32 to index
    %swap3A_674 = arith.constant 16 : index
    %swap3A_675 = tpu.vector_load %arg6[%swap3A_673, %swap3A_674] {strides = array<i32>} : memref<16x128xi32, #tpu.memory_space<vmem>>, vector<16xi32>,
    tpu.vector_store %arg6[%swap3A_673, %swap3A_674], %add3A_671 {strides = array<i32>} : memref<16x128xi32, #tpu.memory_space<vmem>>, vector<16xi32>,
    %add3A_676 = arith.constant 32896 : i32
    %add3A_677 = vector.broadcast %add3A_676 : i32 to vector<16xi32>
    %add3A_678 = arith.addi %add3A_62, %add3A_677 : vector<16xi32>
    %swap3A_679 = arith.constant 8 : i32
    %swap3A_680 = arith.index_cast %swap3A_679 : i32 to index
    %swap3A_681 = arith.constant 32 : index
    %swap3A_682 = tpu.vector_load %arg6[%swap3A_680, %swap3A_681] {strides = array<i32>} : memref<16x128xi32, #tpu.memory_space<vmem>>, vector<16xi32>,
    tpu.vector_store %arg6[%swap3A_680, %swap3A_681], %add3A_678 {strides = array<i32>} : memref<16x128xi32, #tpu.memory_space<vmem>>, vector<16xi32>,
    %add3A_683 = arith.constant 32896 : i32
    %add3A_684 = vector.broadcast %add3A_683 : i32 to vector<16xi32>
    %add3A_685 = arith.addi %add3A_135, %add3A_684 : vector<16xi32>
    %swap3A_686 = arith.constant 8 : i32
    %swap3A_687 = arith.index_cast %swap3A_686 : i32 to index
    %swap3A_688 = arith.constant 48 : index
    %swap3A_689 = tpu.vector_load %arg6[%swap3A_687, %swap3A_688] {strides = array<i32>} : memref<16x128xi32, #tpu.memory_space<vmem>>, vector<16xi32>,
    tpu.vector_store %arg6[%swap3A_687, %swap3A_688], %add3A_685 {strides = array<i32>} : memref<16x128xi32, #tpu.memory_space<vmem>>, vector<16xi32>,
    %add3A_690 = arith.constant 33024 : i32
    %add3A_691 = vector.broadcast %add3A_690 : i32 to vector<16xi32>
    %add3A_692 = arith.addi %add3A_62, %add3A_691 : vector<16xi32>
    %swap3A_693 = arith.constant 8 : i32
    %swap3A_694 = arith.index_cast %swap3A_693 : i32 to index
    %swap3A_695 = arith.constant 64 : index
    %swap3A_696 = tpu.vector_load %arg6[%swap3A_694, %swap3A_695] {strides = array<i32>} : memref<16x128xi32, #tpu.memory_space<vmem>>, vector<16xi32>,
    tpu.vector_store %arg6[%swap3A_694, %swap3A_695], %add3A_692 {strides = array<i32>} : memref<16x128xi32, #tpu.memory_space<vmem>>, vector<16xi32>,
    %add3A_697 = arith.constant 33024 : i32
    %add3A_698 = vector.broadcast %add3A_697 : i32 to vector<16xi32>
    %add3A_699 = arith.addi %add3A_135, %add3A_698 : vector<16xi32>
    %swap3A_700 = arith.constant 8 : i32
    %swap3A_701 = arith.index_cast %swap3A_700 : i32 to index
    %swap3A_702 = arith.constant 80 : index
    %swap3A_703 = tpu.vector_load %arg6[%swap3A_701, %swap3A_702] {strides = array<i32>} : memref<16x128xi32, #tpu.memory_space<vmem>>, vector<16xi32>,
    tpu.vector_store %arg6[%swap3A_701, %swap3A_702], %add3A_699 {strides = array<i32>} : memref<16x128xi32, #tpu.memory_space<vmem>>, vector<16xi32>,
    %add3A_704 = arith.constant 33152 : i32
    %add3A_705 = vector.broadcast %add3A_704 : i32 to vector<16xi32>
    %add3A_706 = arith.addi %add3A_62, %add3A_705 : vector<16xi32>
    %swap3A_707 = arith.constant 8 : i32
    %swap3A_708 = arith.index_cast %swap3A_707 : i32 to index
    %swap3A_709 = arith.constant 96 : index
    %swap3A_710 = tpu.vector_load %arg6[%swap3A_708, %swap3A_709] {strides = array<i32>} : memref<16x128xi32, #tpu.memory_space<vmem>>, vector<16xi32>,
    tpu.vector_store %arg6[%swap3A_708, %swap3A_709], %add3A_706 {strides = array<i32>} : memref<16x128xi32, #tpu.memory_space<vmem>>, vector<16xi32>,
    %add3A_711 = arith.constant 33152 : i32
    %add3A_712 = vector.broadcast %add3A_711 : i32 to vector<16xi32>
    %add3A_713 = arith.addi %add3A_135, %add3A_712 : vector<16xi32>
    %swap3A_714 = arith.constant 8 : i32
    %swap3A_715 = arith.index_cast %swap3A_714 : i32 to index
    %swap3A_716 = arith.constant 112 : index
    %swap3A_717 = tpu.vector_load %arg6[%swap3A_715, %swap3A_716] {strides = array<i32>} : memref<16x128xi32, #tpu.memory_space<vmem>>, vector<16xi32>,
    tpu.vector_store %arg6[%swap3A_715, %swap3A_716], %add3A_713 {strides = array<i32>} : memref<16x128xi32, #tpu.memory_space<vmem>>, vector<16xi32>,
    %dma_start3A_718 = arith.constant 8 : i32
    %dma_start3A_719 = arith.constant 8 : i32
    %dma_start3A_720 = arith.constant 0 : i32
    %dma_start3A_721 = tpu.memref_slice %arg7[%dma_start3A_719, %dma_start3A_720] : memref<16x128xf32, #tpu.memory_space<vmem>> -> memref<1x128xf32, #tpu.memory_space<vmem>>
    %dma_start3A_722 = tpu.memref_squeeze %dma_start3A_721 : memref<1x128xf32, #tpu.memory_space<vmem>> -> memref<128xf32, #tpu.memory_space<vmem>>
    %dma_start3A_723 = arith.constant 0 : i32
    %dma_start3A_724 = tpu.memref_slice %arg6[%dma_start3A_718, %dma_start3A_723] : memref<16x128xi32, #tpu.memory_space<vmem>> -> memref<1x128xi32, #tpu.memory_space<vmem>>
    %dma_start3A_725 = tpu.memref_squeeze %dma_start3A_724 : memref<1x128xi32, #tpu.memory_space<vmem>> -> memref<128xi32, #tpu.memory_space<vmem>>
    %dma_start3A_726 = arith.constant 0 : i32
    %dma_start3A_727 = tpu.memref_slice %arg3[%dma_start3A_726] : memref<65536000xf32, #tpu.memory_space<hbm>> -> memref<65536000xf32, #tpu.memory_space<hbm>>
    tpu.enqueue_indirect_dma source(%dma_start3A_727 : memref<65536000xf32, #tpu.memory_space<hbm>>) target(%dma_start3A_722 : memref<128xf32, #tpu.memory_space<vmem>>) offsets(%dma_start3A_725 : memref<128xi32, #tpu.memory_space<vmem>>) semaphore(%arg8 : memref<!tpu.dma_semaphore, #tpu.memory_space<semaphore_mem>>)
    %add3A_728 = arith.constant 33280 : i32
    %add3A_729 = vector.broadcast %add3A_728 : i32 to vector<16xi32>
    %add3A_730 = arith.addi %add3A_62, %add3A_729 : vector<16xi32>
    %swap3A_731 = arith.constant 9 : i32
    %swap3A_732 = arith.index_cast %swap3A_731 : i32 to index
    %swap3A_733 = arith.constant 0 : index
    %swap3A_734 = tpu.vector_load %arg6[%swap3A_732, %swap3A_733] {strides = array<i32>} : memref<16x128xi32, #tpu.memory_space<vmem>>, vector<16xi32>,
    tpu.vector_store %arg6[%swap3A_732, %swap3A_733], %add3A_730 {strides = array<i32>} : memref<16x128xi32, #tpu.memory_space<vmem>>, vector<16xi32>,
    %add3A_735 = arith.constant 33280 : i32
    %add3A_736 = vector.broadcast %add3A_735 : i32 to vector<16xi32>
    %add3A_737 = arith.addi %add3A_135, %add3A_736 : vector<16xi32>
    %swap3A_738 = arith.constant 9 : i32
    %swap3A_739 = arith.index_cast %swap3A_738 : i32 to index
    %swap3A_740 = arith.constant 16 : index
    %swap3A_741 = tpu.vector_load %arg6[%swap3A_739, %swap3A_740] {strides = array<i32>} : memref<16x128xi32, #tpu.memory_space<vmem>>, vector<16xi32>,
    tpu.vector_store %arg6[%swap3A_739, %swap3A_740], %add3A_737 {strides = array<i32>} : memref<16x128xi32, #tpu.memory_space<vmem>>, vector<16xi32>,
    %add3A_742 = arith.constant 33408 : i32
    %add3A_743 = vector.broadcast %add3A_742 : i32 to vector<16xi32>
    %add3A_744 = arith.addi %add3A_62, %add3A_743 : vector<16xi32>
    %swap3A_745 = arith.constant 9 : i32
    %swap3A_746 = arith.index_cast %swap3A_745 : i32 to index
    %swap3A_747 = arith.constant 32 : index
    %swap3A_748 = tpu.vector_load %arg6[%swap3A_746, %swap3A_747] {strides = array<i32>} : memref<16x128xi32, #tpu.memory_space<vmem>>, vector<16xi32>,
    tpu.vector_store %arg6[%swap3A_746, %swap3A_747], %add3A_744 {strides = array<i32>} : memref<16x128xi32, #tpu.memory_space<vmem>>, vector<16xi32>,
    %add3A_749 = arith.constant 33408 : i32
    %add3A_750 = vector.broadcast %add3A_749 : i32 to vector<16xi32>
    %add3A_751 = arith.addi %add3A_135, %add3A_750 : vector<16xi32>
    %swap3A_752 = arith.constant 9 : i32
    %swap3A_753 = arith.index_cast %swap3A_752 : i32 to index
    %swap3A_754 = arith.constant 48 : index
    %swap3A_755 = tpu.vector_load %arg6[%swap3A_753, %swap3A_754] {strides = array<i32>} : memref<16x128xi32, #tpu.memory_space<vmem>>, vector<16xi32>,
    tpu.vector_store %arg6[%swap3A_753, %swap3A_754], %add3A_751 {strides = array<i32>} : memref<16x128xi32, #tpu.memory_space<vmem>>, vector<16xi32>,
    %add3A_756 = arith.constant 33536 : i32
    %add3A_757 = vector.broadcast %add3A_756 : i32 to vector<16xi32>
    %add3A_758 = arith.addi %add3A_62, %add3A_757 : vector<16xi32>
    %swap3A_759 = arith.constant 9 : i32
    %swap3A_760 = arith.index_cast %swap3A_759 : i32 to index
    %swap3A_761 = arith.constant 64 : index
    %swap3A_762 = tpu.vector_load %arg6[%swap3A_760, %swap3A_761] {strides = array<i32>} : memref<16x128xi32, #tpu.memory_space<vmem>>, vector<16xi32>,
    tpu.vector_store %arg6[%swap3A_760, %swap3A_761], %add3A_758 {strides = array<i32>} : memref<16x128xi32, #tpu.memory_space<vmem>>, vector<16xi32>,
    %add3A_763 = arith.constant 33536 : i32
    %add3A_764 = vector.broadcast %add3A_763 : i32 to vector<16xi32>
    %add3A_765 = arith.addi %add3A_135, %add3A_764 : vector<16xi32>
    %swap3A_766 = arith.constant 9 : i32
    %swap3A_767 = arith.index_cast %swap3A_766 : i32 to index
    %swap3A_768 = arith.constant 80 : index
    %swap3A_769 = tpu.vector_load %arg6[%swap3A_767, %swap3A_768] {strides = array<i32>} : memref<16x128xi32, #tpu.memory_space<vmem>>, vector<16xi32>,
    tpu.vector_store %arg6[%swap3A_767, %swap3A_768], %add3A_765 {strides = array<i32>} : memref<16x128xi32, #tpu.memory_space<vmem>>, vector<16xi32>,
    %add3A_770 = arith.constant 33664 : i32
    %add3A_771 = vector.broadcast %add3A_770 : i32 to vector<16xi32>
    %add3A_772 = arith.addi %add3A_62, %add3A_771 : vector<16xi32>
    %swap3A_773 = arith.constant 9 : i32
    %swap3A_774 = arith.index_cast %swap3A_773 : i32 to index
    %swap3A_775 = arith.constant 96 : index
    %swap3A_776 = tpu.vector_load %arg6[%swap3A_774, %swap3A_775] {strides = array<i32>} : memref<16x128xi32, #tpu.memory_space<vmem>>, vector<16xi32>,
    tpu.vector_store %arg6[%swap3A_774, %swap3A_775], %add3A_772 {strides = array<i32>} : memref<16x128xi32, #tpu.memory_space<vmem>>, vector<16xi32>,
    %add3A_777 = arith.constant 33664 : i32
    %add3A_778 = vector.broadcast %add3A_777 : i32 to vector<16xi32>
    %add3A_779 = arith.addi %add3A_135, %add3A_778 : vector<16xi32>
    %swap3A_780 = arith.constant 9 : i32
    %swap3A_781 = arith.index_cast %swap3A_780 : i32 to index
    %swap3A_782 = arith.constant 112 : index
    %swap3A_783 = tpu.vector_load %arg6[%swap3A_781, %swap3A_782] {strides = array<i32>} : memref<16x128xi32, #tpu.memory_space<vmem>>, vector<16xi32>,
    tpu.vector_store %arg6[%swap3A_781, %swap3A_782], %add3A_779 {strides = array<i32>} : memref<16x128xi32, #tpu.memory_space<vmem>>, vector<16xi32>,
    %dma_start3A_784 = arith.constant 9 : i32
    %dma_start3A_785 = arith.constant 9 : i32
    %dma_start3A_786 = arith.constant 0 : i32
    %dma_start3A_787 = tpu.memref_slice %arg7[%dma_start3A_785, %dma_start3A_786] : memref<16x128xf32, #tpu.memory_space<vmem>> -> memref<1x128xf32, #tpu.memory_space<vmem>>
    %dma_start3A_788 = tpu.memref_squeeze %dma_start3A_787 : memref<1x128xf32, #tpu.memory_space<vmem>> -> memref<128xf32, #tpu.memory_space<vmem>>
    %dma_start3A_789 = arith.constant 0 : i32
    %dma_start3A_790 = tpu.memref_slice %arg6[%dma_start3A_784, %dma_start3A_789] : memref<16x128xi32, #tpu.memory_space<vmem>> -> memref<1x128xi32, #tpu.memory_space<vmem>>
    %dma_start3A_791 = tpu.memref_squeeze %dma_start3A_790 : memref<1x128xi32, #tpu.memory_space<vmem>> -> memref<128xi32, #tpu.memory_space<vmem>>
    %dma_start3A_792 = arith.constant 0 : i32
    %dma_start3A_793 = tpu.memref_slice %arg3[%dma_start3A_792] : memref<65536000xf32, #tpu.memory_space<hbm>> -> memref<65536000xf32, #tpu.memory_space<hbm>>
    tpu.enqueue_indirect_dma source(%dma_start3A_793 : memref<65536000xf32, #tpu.memory_space<hbm>>) target(%dma_start3A_788 : memref<128xf32, #tpu.memory_space<vmem>>) offsets(%dma_start3A_791 : memref<128xi32, #tpu.memory_space<vmem>>) semaphore(%arg8 : memref<!tpu.dma_semaphore, #tpu.memory_space<semaphore_mem>>)
    %add3A_794 = arith.constant 40960 : i32
    %add3A_795 = vector.broadcast %add3A_794 : i32 to vector<16xi32>
    %add3A_796 = arith.addi %add3A_62, %add3A_795 : vector<16xi32>
    %swap3A_797 = arith.constant 10 : i32
    %swap3A_798 = arith.index_cast %swap3A_797 : i32 to index
    %swap3A_799 = arith.constant 0 : index
    %swap3A_800 = tpu.vector_load %arg6[%swap3A_798, %swap3A_799] {strides = array<i32>} : memref<16x128xi32, #tpu.memory_space<vmem>>, vector<16xi32>,
    tpu.vector_store %arg6[%swap3A_798, %swap3A_799], %add3A_796 {strides = array<i32>} : memref<16x128xi32, #tpu.memory_space<vmem>>, vector<16xi32>,
    %add3A_801 = arith.constant 40960 : i32
    %add3A_802 = vector.broadcast %add3A_801 : i32 to vector<16xi32>
    %add3A_803 = arith.addi %add3A_135, %add3A_802 : vector<16xi32>
    %swap3A_804 = arith.constant 10 : i32
    %swap3A_805 = arith.index_cast %swap3A_804 : i32 to index
    %swap3A_806 = arith.constant 16 : index
    %swap3A_807 = tpu.vector_load %arg6[%swap3A_805, %swap3A_806] {strides = array<i32>} : memref<16x128xi32, #tpu.memory_space<vmem>>, vector<16xi32>,
    tpu.vector_store %arg6[%swap3A_805, %swap3A_806], %add3A_803 {strides = array<i32>} : memref<16x128xi32, #tpu.memory_space<vmem>>, vector<16xi32>,
    %add3A_808 = arith.constant 41088 : i32
    %add3A_809 = vector.broadcast %add3A_808 : i32 to vector<16xi32>
    %add3A_810 = arith.addi %add3A_62, %add3A_809 : vector<16xi32>
    %swap3A_811 = arith.constant 10 : i32
    %swap3A_812 = arith.index_cast %swap3A_811 : i32 to index
    %swap3A_813 = arith.constant 32 : index
    %swap3A_814 = tpu.vector_load %arg6[%swap3A_812, %swap3A_813] {strides = array<i32>} : memref<16x128xi32, #tpu.memory_space<vmem>>, vector<16xi32>,
    tpu.vector_store %arg6[%swap3A_812, %swap3A_813], %add3A_810 {strides = array<i32>} : memref<16x128xi32, #tpu.memory_space<vmem>>, vector<16xi32>,
    %add3A_815 = arith.constant 41088 : i32
    %add3A_816 = vector.broadcast %add3A_815 : i32 to vector<16xi32>
    %add3A_817 = arith.addi %add3A_135, %add3A_816 : vector<16xi32>
    %swap3A_818 = arith.constant 10 : i32
    %swap3A_819 = arith.index_cast %swap3A_818 : i32 to index
    %swap3A_820 = arith.constant 48 : index
    %swap3A_821 = tpu.vector_load %arg6[%swap3A_819, %swap3A_820] {strides = array<i32>} : memref<16x128xi32, #tpu.memory_space<vmem>>, vector<16xi32>,
    tpu.vector_store %arg6[%swap3A_819, %swap3A_820], %add3A_817 {strides = array<i32>} : memref<16x128xi32, #tpu.memory_space<vmem>>, vector<16xi32>,
    %add3A_822 = arith.constant 41216 : i32
    %add3A_823 = vector.broadcast %add3A_822 : i32 to vector<16xi32>
    %add3A_824 = arith.addi %add3A_62, %add3A_823 : vector<16xi32>
    %swap3A_825 = arith.constant 10 : i32
    %swap3A_826 = arith.index_cast %swap3A_825 : i32 to index
    %swap3A_827 = arith.constant 64 : index
    %swap3A_828 = tpu.vector_load %arg6[%swap3A_826, %swap3A_827] {strides = array<i32>} : memref<16x128xi32, #tpu.memory_space<vmem>>, vector<16xi32>,
    tpu.vector_store %arg6[%swap3A_826, %swap3A_827], %add3A_824 {strides = array<i32>} : memref<16x128xi32, #tpu.memory_space<vmem>>, vector<16xi32>,
    %add3A_829 = arith.constant 41216 : i32
    %add3A_830 = vector.broadcast %add3A_829 : i32 to vector<16xi32>
    %add3A_831 = arith.addi %add3A_135, %add3A_830 : vector<16xi32>
    %swap3A_832 = arith.constant 10 : i32
    %swap3A_833 = arith.index_cast %swap3A_832 : i32 to index
    %swap3A_834 = arith.constant 80 : index
    %swap3A_835 = tpu.vector_load %arg6[%swap3A_833, %swap3A_834] {strides = array<i32>} : memref<16x128xi32, #tpu.memory_space<vmem>>, vector<16xi32>,
    tpu.vector_store %arg6[%swap3A_833, %swap3A_834], %add3A_831 {strides = array<i32>} : memref<16x128xi32, #tpu.memory_space<vmem>>, vector<16xi32>,
    %add3A_836 = arith.constant 41344 : i32
    %add3A_837 = vector.broadcast %add3A_836 : i32 to vector<16xi32>
    %add3A_838 = arith.addi %add3A_62, %add3A_837 : vector<16xi32>
    %swap3A_839 = arith.constant 10 : i32
    %swap3A_840 = arith.index_cast %swap3A_839 : i32 to index
    %swap3A_841 = arith.constant 96 : index
    %swap3A_842 = tpu.vector_load %arg6[%swap3A_840, %swap3A_841] {strides = array<i32>} : memref<16x128xi32, #tpu.memory_space<vmem>>, vector<16xi32>,
    tpu.vector_store %arg6[%swap3A_840, %swap3A_841], %add3A_838 {strides = array<i32>} : memref<16x128xi32, #tpu.memory_space<vmem>>, vector<16xi32>,
    %add3A_843 = arith.constant 41344 : i32
    %add3A_844 = vector.broadcast %add3A_843 : i32 to vector<16xi32>
    %add3A_845 = arith.addi %add3A_135, %add3A_844 : vector<16xi32>
    %swap3A_846 = arith.constant 10 : i32
    %swap3A_847 = arith.index_cast %swap3A_846 : i32 to index
    %swap3A_848 = arith.constant 112 : index
    %swap3A_849 = tpu.vector_load %arg6[%swap3A_847, %swap3A_848] {strides = array<i32>} : memref<16x128xi32, #tpu.memory_space<vmem>>, vector<16xi32>,
    tpu.vector_store %arg6[%swap3A_847, %swap3A_848], %add3A_845 {strides = array<i32>} : memref<16x128xi32, #tpu.memory_space<vmem>>, vector<16xi32>,
    %dma_start3A_850 = arith.constant 10 : i32
    %dma_start3A_851 = arith.constant 10 : i32
    %dma_start3A_852 = arith.constant 0 : i32
    %dma_start3A_853 = tpu.memref_slice %arg7[%dma_start3A_851, %dma_start3A_852] : memref<16x128xf32, #tpu.memory_space<vmem>> -> memref<1x128xf32, #tpu.memory_space<vmem>>
    %dma_start3A_854 = tpu.memref_squeeze %dma_start3A_853 : memref<1x128xf32, #tpu.memory_space<vmem>> -> memref<128xf32, #tpu.memory_space<vmem>>
    %dma_start3A_855 = arith.constant 0 : i32
    %dma_start3A_856 = tpu.memref_slice %arg6[%dma_start3A_850, %dma_start3A_855] : memref<16x128xi32, #tpu.memory_space<vmem>> -> memref<1x128xi32, #tpu.memory_space<vmem>>
    %dma_start3A_857 = tpu.memref_squeeze %dma_start3A_856 : memref<1x128xi32, #tpu.memory_space<vmem>> -> memref<128xi32, #tpu.memory_space<vmem>>
    %dma_start3A_858 = arith.constant 0 : i32
    %dma_start3A_859 = tpu.memref_slice %arg3[%dma_start3A_858] : memref<65536000xf32, #tpu.memory_space<hbm>> -> memref<65536000xf32, #tpu.memory_space<hbm>>
    tpu.enqueue_indirect_dma source(%dma_start3A_859 : memref<65536000xf32, #tpu.memory_space<hbm>>) target(%dma_start3A_854 : memref<128xf32, #tpu.memory_space<vmem>>) offsets(%dma_start3A_857 : memref<128xi32, #tpu.memory_space<vmem>>) semaphore(%arg8 : memref<!tpu.dma_semaphore, #tpu.memory_space<semaphore_mem>>)
    %add3A_860 = arith.constant 41472 : i32
    %add3A_861 = vector.broadcast %add3A_860 : i32 to vector<16xi32>
    %add3A_862 = arith.addi %add3A_62, %add3A_861 : vector<16xi32>
    %swap3A_863 = arith.constant 11 : i32
    %swap3A_864 = arith.index_cast %swap3A_863 : i32 to index
    %swap3A_865 = arith.constant 0 : index
    %swap3A_866 = tpu.vector_load %arg6[%swap3A_864, %swap3A_865] {strides = array<i32>} : memref<16x128xi32, #tpu.memory_space<vmem>>, vector<16xi32>,
    tpu.vector_store %arg6[%swap3A_864, %swap3A_865], %add3A_862 {strides = array<i32>} : memref<16x128xi32, #tpu.memory_space<vmem>>, vector<16xi32>,
    %add3A_867 = arith.constant 41472 : i32
    %add3A_868 = vector.broadcast %add3A_867 : i32 to vector<16xi32>
    %add3A_869 = arith.addi %add3A_135, %add3A_868 : vector<16xi32>
    %swap3A_870 = arith.constant 11 : i32
    %swap3A_871 = arith.index_cast %swap3A_870 : i32 to index
    %swap3A_872 = arith.constant 16 : index
    %swap3A_873 = tpu.vector_load %arg6[%swap3A_871, %swap3A_872] {strides = array<i32>} : memref<16x128xi32, #tpu.memory_space<vmem>>, vector<16xi32>,
    tpu.vector_store %arg6[%swap3A_871, %swap3A_872], %add3A_869 {strides = array<i32>} : memref<16x128xi32, #tpu.memory_space<vmem>>, vector<16xi32>,
    %add3A_874 = arith.constant 41600 : i32
    %add3A_875 = vector.broadcast %add3A_874 : i32 to vector<16xi32>
    %add3A_876 = arith.addi %add3A_62, %add3A_875 : vector<16xi32>
    %swap3A_877 = arith.constant 11 : i32
    %swap3A_878 = arith.index_cast %swap3A_877 : i32 to index
    %swap3A_879 = arith.constant 32 : index
    %swap3A_880 = tpu.vector_load %arg6[%swap3A_878, %swap3A_879] {strides = array<i32>} : memref<16x128xi32, #tpu.memory_space<vmem>>, vector<16xi32>,
    tpu.vector_store %arg6[%swap3A_878, %swap3A_879], %add3A_876 {strides = array<i32>} : memref<16x128xi32, #tpu.memory_space<vmem>>, vector<16xi32>,
    %add3A_881 = arith.constant 41600 : i32
    %add3A_882 = vector.broadcast %add3A_881 : i32 to vector<16xi32>
    %add3A_883 = arith.addi %add3A_135, %add3A_882 : vector<16xi32>
    %swap3A_884 = arith.constant 11 : i32
    %swap3A_885 = arith.index_cast %swap3A_884 : i32 to index
    %swap3A_886 = arith.constant 48 : index
    %swap3A_887 = tpu.vector_load %arg6[%swap3A_885, %swap3A_886] {strides = array<i32>} : memref<16x128xi32, #tpu.memory_space<vmem>>, vector<16xi32>,
    tpu.vector_store %arg6[%swap3A_885, %swap3A_886], %add3A_883 {strides = array<i32>} : memref<16x128xi32, #tpu.memory_space<vmem>>, vector<16xi32>,
    %add3A_888 = arith.constant 41728 : i32
    %add3A_889 = vector.broadcast %add3A_888 : i32 to vector<16xi32>
    %add3A_890 = arith.addi %add3A_62, %add3A_889 : vector<16xi32>
    %swap3A_891 = arith.constant 11 : i32
    %swap3A_892 = arith.index_cast %swap3A_891 : i32 to index
    %swap3A_893 = arith.constant 64 : index
    %swap3A_894 = tpu.vector_load %arg6[%swap3A_892, %swap3A_893] {strides = array<i32>} : memref<16x128xi32, #tpu.memory_space<vmem>>, vector<16xi32>,
    tpu.vector_store %arg6[%swap3A_892, %swap3A_893], %add3A_890 {strides = array<i32>} : memref<16x128xi32, #tpu.memory_space<vmem>>, vector<16xi32>,
    %add3A_895 = arith.constant 41728 : i32
    %add3A_896 = vector.broadcast %add3A_895 : i32 to vector<16xi32>
    %add3A_897 = arith.addi %add3A_135, %add3A_896 : vector<16xi32>
    %swap3A_898 = arith.constant 11 : i32
    %swap3A_899 = arith.index_cast %swap3A_898 : i32 to index
    %swap3A_900 = arith.constant 80 : index
    %swap3A_901 = tpu.vector_load %arg6[%swap3A_899, %swap3A_900] {strides = array<i32>} : memref<16x128xi32, #tpu.memory_space<vmem>>, vector<16xi32>,
    tpu.vector_store %arg6[%swap3A_899, %swap3A_900], %add3A_897 {strides = array<i32>} : memref<16x128xi32, #tpu.memory_space<vmem>>, vector<16xi32>,
    %add3A_902 = arith.constant 41856 : i32
    %add3A_903 = vector.broadcast %add3A_902 : i32 to vector<16xi32>
    %add3A_904 = arith.addi %add3A_62, %add3A_903 : vector<16xi32>
    %swap3A_905 = arith.constant 11 : i32
    %swap3A_906 = arith.index_cast %swap3A_905 : i32 to index
    %swap3A_907 = arith.constant 96 : index
    %swap3A_908 = tpu.vector_load %arg6[%swap3A_906, %swap3A_907] {strides = array<i32>} : memref<16x128xi32, #tpu.memory_space<vmem>>, vector<16xi32>,
    tpu.vector_store %arg6[%swap3A_906, %swap3A_907], %add3A_904 {strides = array<i32>} : memref<16x128xi32, #tpu.memory_space<vmem>>, vector<16xi32>,
    %add3A_909 = arith.constant 41856 : i32
    %add3A_910 = vector.broadcast %add3A_909 : i32 to vector<16xi32>
    %add3A_911 = arith.addi %add3A_135, %add3A_910 : vector<16xi32>
    %swap3A_912 = arith.constant 11 : i32
    %swap3A_913 = arith.index_cast %swap3A_912 : i32 to index
    %swap3A_914 = arith.constant 112 : index
    %swap3A_915 = tpu.vector_load %arg6[%swap3A_913, %swap3A_914] {strides = array<i32>} : memref<16x128xi32, #tpu.memory_space<vmem>>, vector<16xi32>,
    tpu.vector_store %arg6[%swap3A_913, %swap3A_914], %add3A_911 {strides = array<i32>} : memref<16x128xi32, #tpu.memory_space<vmem>>, vector<16xi32>,
    %dma_start3A_916 = arith.constant 11 : i32
    %dma_start3A_917 = arith.constant 11 : i32
    %dma_start3A_918 = arith.constant 0 : i32
    %dma_start3A_919 = tpu.memref_slice %arg7[%dma_start3A_917, %dma_start3A_918] : memref<16x128xf32, #tpu.memory_space<vmem>> -> memref<1x128xf32, #tpu.memory_space<vmem>>
    %dma_start3A_920 = tpu.memref_squeeze %dma_start3A_919 : memref<1x128xf32, #tpu.memory_space<vmem>> -> memref<128xf32, #tpu.memory_space<vmem>>
    %dma_start3A_921 = arith.constant 0 : i32
    %dma_start3A_922 = tpu.memref_slice %arg6[%dma_start3A_916, %dma_start3A_921] : memref<16x128xi32, #tpu.memory_space<vmem>> -> memref<1x128xi32, #tpu.memory_space<vmem>>
    %dma_start3A_923 = tpu.memref_squeeze %dma_start3A_922 : memref<1x128xi32, #tpu.memory_space<vmem>> -> memref<128xi32, #tpu.memory_space<vmem>>
    %dma_start3A_924 = arith.constant 0 : i32
    %dma_start3A_925 = tpu.memref_slice %arg3[%dma_start3A_924] : memref<65536000xf32, #tpu.memory_space<hbm>> -> memref<65536000xf32, #tpu.memory_space<hbm>>
    tpu.enqueue_indirect_dma source(%dma_start3A_925 : memref<65536000xf32, #tpu.memory_space<hbm>>) target(%dma_start3A_920 : memref<128xf32, #tpu.memory_space<vmem>>) offsets(%dma_start3A_923 : memref<128xi32, #tpu.memory_space<vmem>>) semaphore(%arg8 : memref<!tpu.dma_semaphore, #tpu.memory_space<semaphore_mem>>)
    %add3A_926 = arith.constant 49152 : i32
    %add3A_927 = vector.broadcast %add3A_926 : i32 to vector<16xi32>
    %add3A_928 = arith.addi %add3A_62, %add3A_927 : vector<16xi32>
    %swap3A_929 = arith.constant 12 : i32
    %swap3A_930 = arith.index_cast %swap3A_929 : i32 to index
    %swap3A_931 = arith.constant 0 : index
    %swap3A_932 = tpu.vector_load %arg6[%swap3A_930, %swap3A_931] {strides = array<i32>} : memref<16x128xi32, #tpu.memory_space<vmem>>, vector<16xi32>,
    tpu.vector_store %arg6[%swap3A_930, %swap3A_931], %add3A_928 {strides = array<i32>} : memref<16x128xi32, #tpu.memory_space<vmem>>, vector<16xi32>,
    %add3A_933 = arith.constant 49152 : i32
    %add3A_934 = vector.broadcast %add3A_933 : i32 to vector<16xi32>
    %add3A_935 = arith.addi %add3A_135, %add3A_934 : vector<16xi32>
    %swap3A_936 = arith.constant 12 : i32
    %swap3A_937 = arith.index_cast %swap3A_936 : i32 to index
    %swap3A_938 = arith.constant 16 : index
    %swap3A_939 = tpu.vector_load %arg6[%swap3A_937, %swap3A_938] {strides = array<i32>} : memref<16x128xi32, #tpu.memory_space<vmem>>, vector<16xi32>,
    tpu.vector_store %arg6[%swap3A_937, %swap3A_938], %add3A_935 {strides = array<i32>} : memref<16x128xi32, #tpu.memory_space<vmem>>, vector<16xi32>,
    %add3A_940 = arith.constant 49280 : i32
    %add3A_941 = vector.broadcast %add3A_940 : i32 to vector<16xi32>
    %add3A_942 = arith.addi %add3A_62, %add3A_941 : vector<16xi32>
    %swap3A_943 = arith.constant 12 : i32
    %swap3A_944 = arith.index_cast %swap3A_943 : i32 to index
    %swap3A_945 = arith.constant 32 : index
    %swap3A_946 = tpu.vector_load %arg6[%swap3A_944, %swap3A_945] {strides = array<i32>} : memref<16x128xi32, #tpu.memory_space<vmem>>, vector<16xi32>,
    tpu.vector_store %arg6[%swap3A_944, %swap3A_945], %add3A_942 {strides = array<i32>} : memref<16x128xi32, #tpu.memory_space<vmem>>, vector<16xi32>,
    %add3A_947 = arith.constant 49280 : i32
    %add3A_948 = vector.broadcast %add3A_947 : i32 to vector<16xi32>
    %add3A_949 = arith.addi %add3A_135, %add3A_948 : vector<16xi32>
    %swap3A_950 = arith.constant 12 : i32
    %swap3A_951 = arith.index_cast %swap3A_950 : i32 to index
    %swap3A_952 = arith.constant 48 : index
    %swap3A_953 = tpu.vector_load %arg6[%swap3A_951, %swap3A_952] {strides = array<i32>} : memref<16x128xi32, #tpu.memory_space<vmem>>, vector<16xi32>,
    tpu.vector_store %arg6[%swap3A_951, %swap3A_952], %add3A_949 {strides = array<i32>} : memref<16x128xi32, #tpu.memory_space<vmem>>, vector<16xi32>,
    %add3A_954 = arith.constant 49408 : i32
    %add3A_955 = vector.broadcast %add3A_954 : i32 to vector<16xi32>
    %add3A_956 = arith.addi %add3A_62, %add3A_955 : vector<16xi32>
    %swap3A_957 = arith.constant 12 : i32
    %swap3A_958 = arith.index_cast %swap3A_957 : i32 to index
    %swap3A_959 = arith.constant 64 : index
    %swap3A_960 = tpu.vector_load %arg6[%swap3A_958, %swap3A_959] {strides = array<i32>} : memref<16x128xi32, #tpu.memory_space<vmem>>, vector<16xi32>,
    tpu.vector_store %arg6[%swap3A_958, %swap3A_959], %add3A_956 {strides = array<i32>} : memref<16x128xi32, #tpu.memory_space<vmem>>, vector<16xi32>,
    %add3A_961 = arith.constant 49408 : i32
    %add3A_962 = vector.broadcast %add3A_961 : i32 to vector<16xi32>
    %add3A_963 = arith.addi %add3A_135, %add3A_962 : vector<16xi32>
    %swap3A_964 = arith.constant 12 : i32
    %swap3A_965 = arith.index_cast %swap3A_964 : i32 to index
    %swap3A_966 = arith.constant 80 : index
    %swap3A_967 = tpu.vector_load %arg6[%swap3A_965, %swap3A_966] {strides = array<i32>} : memref<16x128xi32, #tpu.memory_space<vmem>>, vector<16xi32>,
    tpu.vector_store %arg6[%swap3A_965, %swap3A_966], %add3A_963 {strides = array<i32>} : memref<16x128xi32, #tpu.memory_space<vmem>>, vector<16xi32>,
    %add3A_968 = arith.constant 49536 : i32
    %add3A_969 = vector.broadcast %add3A_968 : i32 to vector<16xi32>
    %add3A_970 = arith.addi %add3A_62, %add3A_969 : vector<16xi32>
    %swap3A_971 = arith.constant 12 : i32
    %swap3A_972 = arith.index_cast %swap3A_971 : i32 to index
    %swap3A_973 = arith.constant 96 : index
    %swap3A_974 = tpu.vector_load %arg6[%swap3A_972, %swap3A_973] {strides = array<i32>} : memref<16x128xi32, #tpu.memory_space<vmem>>, vector<16xi32>,
    tpu.vector_store %arg6[%swap3A_972, %swap3A_973], %add3A_970 {strides = array<i32>} : memref<16x128xi32, #tpu.memory_space<vmem>>, vector<16xi32>,
    %add3A_975 = arith.constant 49536 : i32
    %add3A_976 = vector.broadcast %add3A_975 : i32 to vector<16xi32>
    %add3A_977 = arith.addi %add3A_135, %add3A_976 : vector<16xi32>
    %swap3A_978 = arith.constant 12 : i32
    %swap3A_979 = arith.index_cast %swap3A_978 : i32 to index
    %swap3A_980 = arith.constant 112 : index
    %swap3A_981 = tpu.vector_load %arg6[%swap3A_979, %swap3A_980] {strides = array<i32>} : memref<16x128xi32, #tpu.memory_space<vmem>>, vector<16xi32>,
    tpu.vector_store %arg6[%swap3A_979, %swap3A_980], %add3A_977 {strides = array<i32>} : memref<16x128xi32, #tpu.memory_space<vmem>>, vector<16xi32>,
    %dma_start3A_982 = arith.constant 12 : i32
    %dma_start3A_983 = arith.constant 12 : i32
    %dma_start3A_984 = arith.constant 0 : i32
    %dma_start3A_985 = tpu.memref_slice %arg7[%dma_start3A_983, %dma_start3A_984] : memref<16x128xf32, #tpu.memory_space<vmem>> -> memref<1x128xf32, #tpu.memory_space<vmem>>
    %dma_start3A_986 = tpu.memref_squeeze %dma_start3A_985 : memref<1x128xf32, #tpu.memory_space<vmem>> -> memref<128xf32, #tpu.memory_space<vmem>>
    %dma_start3A_987 = arith.constant 0 : i32
    %dma_start3A_988 = tpu.memref_slice %arg6[%dma_start3A_982, %dma_start3A_987] : memref<16x128xi32, #tpu.memory_space<vmem>> -> memref<1x128xi32, #tpu.memory_space<vmem>>
    %dma_start3A_989 = tpu.memref_squeeze %dma_start3A_988 : memref<1x128xi32, #tpu.memory_space<vmem>> -> memref<128xi32, #tpu.memory_space<vmem>>
    %dma_start3A_990 = arith.constant 0 : i32
    %dma_start3A_991 = tpu.memref_slice %arg3[%dma_start3A_990] : memref<65536000xf32, #tpu.memory_space<hbm>> -> memref<65536000xf32, #tpu.memory_space<hbm>>
    tpu.enqueue_indirect_dma source(%dma_start3A_991 : memref<65536000xf32, #tpu.memory_space<hbm>>) target(%dma_start3A_986 : memref<128xf32, #tpu.memory_space<vmem>>) offsets(%dma_start3A_989 : memref<128xi32, #tpu.memory_space<vmem>>) semaphore(%arg8 : memref<!tpu.dma_semaphore, #tpu.memory_space<semaphore_mem>>)
    %add3A_992 = arith.constant 49664 : i32
    %add3A_993 = vector.broadcast %add3A_992 : i32 to vector<16xi32>
    %add3A_994 = arith.addi %add3A_62, %add3A_993 : vector<16xi32>
    %swap3A_995 = arith.constant 13 : i32
    %swap3A_996 = arith.index_cast %swap3A_995 : i32 to index
    %swap3A_997 = arith.constant 0 : index
    %swap3A_998 = tpu.vector_load %arg6[%swap3A_996, %swap3A_997] {strides = array<i32>} : memref<16x128xi32, #tpu.memory_space<vmem>>, vector<16xi32>,
    tpu.vector_store %arg6[%swap3A_996, %swap3A_997], %add3A_994 {strides = array<i32>} : memref<16x128xi32, #tpu.memory_space<vmem>>, vector<16xi32>,
    %add3A_999 = arith.constant 49664 : i32
    %add3A_1000 = vector.broadcast %add3A_999 : i32 to vector<16xi32>
    %add3A_1001 = arith.addi %add3A_135, %add3A_1000 : vector<16xi32>
    %swap3A_1002 = arith.constant 13 : i32
    %swap3A_1003 = arith.index_cast %swap3A_1002 : i32 to index
    %swap3A_1004 = arith.constant 16 : index
    %swap3A_1005 = tpu.vector_load %arg6[%swap3A_1003, %swap3A_1004] {strides = array<i32>} : memref<16x128xi32, #tpu.memory_space<vmem>>, vector<16xi32>,
    tpu.vector_store %arg6[%swap3A_1003, %swap3A_1004], %add3A_1001 {strides = array<i32>} : memref<16x128xi32, #tpu.memory_space<vmem>>, vector<16xi32>,
    %add3A_1006 = arith.constant 49792 : i32
    %add3A_1007 = vector.broadcast %add3A_1006 : i32 to vector<16xi32>
    %add3A_1008 = arith.addi %add3A_62, %add3A_1007 : vector<16xi32>
    %swap3A_1009 = arith.constant 13 : i32
    %swap3A_1010 = arith.index_cast %swap3A_1009 : i32 to index
    %swap3A_1011 = arith.constant 32 : index
    %swap3A_1012 = tpu.vector_load %arg6[%swap3A_1010, %swap3A_1011] {strides = array<i32>} : memref<16x128xi32, #tpu.memory_space<vmem>>, vector<16xi32>,
    tpu.vector_store %arg6[%swap3A_1010, %swap3A_1011], %add3A_1008 {strides = array<i32>} : memref<16x128xi32, #tpu.memory_space<vmem>>, vector<16xi32>,
    %add3A_1013 = arith.constant 49792 : i32
    %add3A_1014 = vector.broadcast %add3A_1013 : i32 to vector<16xi32>
    %add3A_1015 = arith.addi %add3A_135, %add3A_1014 : vector<16xi32>
    %swap3A_1016 = arith.constant 13 : i32
    %swap3A_1017 = arith.index_cast %swap3A_1016 : i32 to index
    %swap3A_1018 = arith.constant 48 : index
    %swap3A_1019 = tpu.vector_load %arg6[%swap3A_1017, %swap3A_1018] {strides = array<i32>} : memref<16x128xi32, #tpu.memory_space<vmem>>, vector<16xi32>,
    tpu.vector_store %arg6[%swap3A_1017, %swap3A_1018], %add3A_1015 {strides = array<i32>} : memref<16x128xi32, #tpu.memory_space<vmem>>, vector<16xi32>,
    %add3A_1020 = arith.constant 49920 : i32
    %add3A_1021 = vector.broadcast %add3A_1020 : i32 to vector<16xi32>
    %add3A_1022 = arith.addi %add3A_62, %add3A_1021 : vector<16xi32>
    %swap3A_1023 = arith.constant 13 : i32
    %swap3A_1024 = arith.index_cast %swap3A_1023 : i32 to index
    %swap3A_1025 = arith.constant 64 : index
    %swap3A_1026 = tpu.vector_load %arg6[%swap3A_1024, %swap3A_1025] {strides = array<i32>} : memref<16x128xi32, #tpu.memory_space<vmem>>, vector<16xi32>,
    tpu.vector_store %arg6[%swap3A_1024, %swap3A_1025], %add3A_1022 {strides = array<i32>} : memref<16x128xi32, #tpu.memory_space<vmem>>, vector<16xi32>,
    %add3A_1027 = arith.constant 49920 : i32
    %add3A_1028 = vector.broadcast %add3A_1027 : i32 to vector<16xi32>
    %add3A_1029 = arith.addi %add3A_135, %add3A_1028 : vector<16xi32>
    %swap3A_1030 = arith.constant 13 : i32
    %swap3A_1031 = arith.index_cast %swap3A_1030 : i32 to index
    %swap3A_1032 = arith.constant 80 : index
    %swap3A_1033 = tpu.vector_load %arg6[%swap3A_1031, %swap3A_1032] {strides = array<i32>} : memref<16x128xi32, #tpu.memory_space<vmem>>, vector<16xi32>,
    tpu.vector_store %arg6[%swap3A_1031, %swap3A_1032], %add3A_1029 {strides = array<i32>} : memref<16x128xi32, #tpu.memory_space<vmem>>, vector<16xi32>,
    %add3A_1034 = arith.constant 50048 : i32
    %add3A_1035 = vector.broadcast %add3A_1034 : i32 to vector<16xi32>
    %add3A_1036 = arith.addi %add3A_62, %add3A_1035 : vector<16xi32>
    %swap3A_1037 = arith.constant 13 : i32
    %swap3A_1038 = arith.index_cast %swap3A_1037 : i32 to index
    %swap3A_1039 = arith.constant 96 : index
    %swap3A_1040 = tpu.vector_load %arg6[%swap3A_1038, %swap3A_1039] {strides = array<i32>} : memref<16x128xi32, #tpu.memory_space<vmem>>, vector<16xi32>,
    tpu.vector_store %arg6[%swap3A_1038, %swap3A_1039], %add3A_1036 {strides = array<i32>} : memref<16x128xi32, #tpu.memory_space<vmem>>, vector<16xi32>,
    %add3A_1041 = arith.constant 50048 : i32
    %add3A_1042 = vector.broadcast %add3A_1041 : i32 to vector<16xi32>
    %add3A_1043 = arith.addi %add3A_135, %add3A_1042 : vector<16xi32>
    %swap3A_1044 = arith.constant 13 : i32
    %swap3A_1045 = arith.index_cast %swap3A_1044 : i32 to index
    %swap3A_1046 = arith.constant 112 : index
    %swap3A_1047 = tpu.vector_load %arg6[%swap3A_1045, %swap3A_1046] {strides = array<i32>} : memref<16x128xi32, #tpu.memory_space<vmem>>, vector<16xi32>,
    tpu.vector_store %arg6[%swap3A_1045, %swap3A_1046], %add3A_1043 {strides = array<i32>} : memref<16x128xi32, #tpu.memory_space<vmem>>, vector<16xi32>,
    %dma_start3A_1048 = arith.constant 13 : i32
    %dma_start3A_1049 = arith.constant 13 : i32
    %dma_start3A_1050 = arith.constant 0 : i32
    %dma_start3A_1051 = tpu.memref_slice %arg7[%dma_start3A_1049, %dma_start3A_1050] : memref<16x128xf32, #tpu.memory_space<vmem>> -> memref<1x128xf32, #tpu.memory_space<vmem>>
    %dma_start3A_1052 = tpu.memref_squeeze %dma_start3A_1051 : memref<1x128xf32, #tpu.memory_space<vmem>> -> memref<128xf32, #tpu.memory_space<vmem>>
    %dma_start3A_1053 = arith.constant 0 : i32
    %dma_start3A_1054 = tpu.memref_slice %arg6[%dma_start3A_1048, %dma_start3A_1053] : memref<16x128xi32, #tpu.memory_space<vmem>> -> memref<1x128xi32, #tpu.memory_space<vmem>>
    %dma_start3A_1055 = tpu.memref_squeeze %dma_start3A_1054 : memref<1x128xi32, #tpu.memory_space<vmem>> -> memref<128xi32, #tpu.memory_space<vmem>>
    %dma_start3A_1056 = arith.constant 0 : i32
    %dma_start3A_1057 = tpu.memref_slice %arg3[%dma_start3A_1056] : memref<65536000xf32, #tpu.memory_space<hbm>> -> memref<65536000xf32, #tpu.memory_space<hbm>>
    tpu.enqueue_indirect_dma source(%dma_start3A_1057 : memref<65536000xf32, #tpu.memory_space<hbm>>) target(%dma_start3A_1052 : memref<128xf32, #tpu.memory_space<vmem>>) offsets(%dma_start3A_1055 : memref<128xi32, #tpu.memory_space<vmem>>) semaphore(%arg8 : memref<!tpu.dma_semaphore, #tpu.memory_space<semaphore_mem>>)
    %add3A_1058 = arith.constant 57344 : i32
    %add3A_1059 = vector.broadcast %add3A_1058 : i32 to vector<16xi32>
    %add3A_1060 = arith.addi %add3A_62, %add3A_1059 : vector<16xi32>
    %swap3A_1061 = arith.constant 14 : i32
    %swap3A_1062 = arith.index_cast %swap3A_1061 : i32 to index
    %swap3A_1063 = arith.constant 0 : index
    %swap3A_1064 = tpu.vector_load %arg6[%swap3A_1062, %swap3A_1063] {strides = array<i32>} : memref<16x128xi32, #tpu.memory_space<vmem>>, vector<16xi32>,
    tpu.vector_store %arg6[%swap3A_1062, %swap3A_1063], %add3A_1060 {strides = array<i32>} : memref<16x128xi32, #tpu.memory_space<vmem>>, vector<16xi32>,
    %add3A_1065 = arith.constant 57344 : i32
    %add3A_1066 = vector.broadcast %add3A_1065 : i32 to vector<16xi32>
    %add3A_1067 = arith.addi %add3A_135, %add3A_1066 : vector<16xi32>
    %swap3A_1068 = arith.constant 14 : i32
    %swap3A_1069 = arith.index_cast %swap3A_1068 : i32 to index
    %swap3A_1070 = arith.constant 16 : index
    %swap3A_1071 = tpu.vector_load %arg6[%swap3A_1069, %swap3A_1070] {strides = array<i32>} : memref<16x128xi32, #tpu.memory_space<vmem>>, vector<16xi32>,
    tpu.vector_store %arg6[%swap3A_1069, %swap3A_1070], %add3A_1067 {strides = array<i32>} : memref<16x128xi32, #tpu.memory_space<vmem>>, vector<16xi32>,
    %add3A_1072 = arith.constant 57472 : i32
    %add3A_1073 = vector.broadcast %add3A_1072 : i32 to vector<16xi32>
    %add3A_1074 = arith.addi %add3A_62, %add3A_1073 : vector<16xi32>
    %swap3A_1075 = arith.constant 14 : i32
    %swap3A_1076 = arith.index_cast %swap3A_1075 : i32 to index
    %swap3A_1077 = arith.constant 32 : index
    %swap3A_1078 = tpu.vector_load %arg6[%swap3A_1076, %swap3A_1077] {strides = array<i32>} : memref<16x128xi32, #tpu.memory_space<vmem>>, vector<16xi32>,
    tpu.vector_store %arg6[%swap3A_1076, %swap3A_1077], %add3A_1074 {strides = array<i32>} : memref<16x128xi32, #tpu.memory_space<vmem>>, vector<16xi32>,
    %add3A_1079 = arith.constant 57472 : i32
    %add3A_1080 = vector.broadcast %add3A_1079 : i32 to vector<16xi32>
    %add3A_1081 = arith.addi %add3A_135, %add3A_1080 : vector<16xi32>
    %swap3A_1082 = arith.constant 14 : i32
    %swap3A_1083 = arith.index_cast %swap3A_1082 : i32 to index
    %swap3A_1084 = arith.constant 48 : index
    %swap3A_1085 = tpu.vector_load %arg6[%swap3A_1083, %swap3A_1084] {strides = array<i32>} : memref<16x128xi32, #tpu.memory_space<vmem>>, vector<16xi32>,
    tpu.vector_store %arg6[%swap3A_1083, %swap3A_1084], %add3A_1081 {strides = array<i32>} : memref<16x128xi32, #tpu.memory_space<vmem>>, vector<16xi32>,
    %add3A_1086 = arith.constant 57600 : i32
    %add3A_1087 = vector.broadcast %add3A_1086 : i32 to vector<16xi32>
    %add3A_1088 = arith.addi %add3A_62, %add3A_1087 : vector<16xi32>
    %swap3A_1089 = arith.constant 14 : i32
    %swap3A_1090 = arith.index_cast %swap3A_1089 : i32 to index
    %swap3A_1091 = arith.constant 64 : index
    %swap3A_1092 = tpu.vector_load %arg6[%swap3A_1090, %swap3A_1091] {strides = array<i32>} : memref<16x128xi32, #tpu.memory_space<vmem>>, vector<16xi32>,
    tpu.vector_store %arg6[%swap3A_1090, %swap3A_1091], %add3A_1088 {strides = array<i32>} : memref<16x128xi32, #tpu.memory_space<vmem>>, vector<16xi32>,
    %add3A_1093 = arith.constant 57600 : i32
    %add3A_1094 = vector.broadcast %add3A_1093 : i32 to vector<16xi32>
    %add3A_1095 = arith.addi %add3A_135, %add3A_1094 : vector<16xi32>
    %swap3A_1096 = arith.constant 14 : i32
    %swap3A_1097 = arith.index_cast %swap3A_1096 : i32 to index
    %swap3A_1098 = arith.constant 80 : index
    %swap3A_1099 = tpu.vector_load %arg6[%swap3A_1097, %swap3A_1098] {strides = array<i32>} : memref<16x128xi32, #tpu.memory_space<vmem>>, vector<16xi32>,
    tpu.vector_store %arg6[%swap3A_1097, %swap3A_1098], %add3A_1095 {strides = array<i32>} : memref<16x128xi32, #tpu.memory_space<vmem>>, vector<16xi32>,
    %add3A_1100 = arith.constant 57728 : i32
    %add3A_1101 = vector.broadcast %add3A_1100 : i32 to vector<16xi32>
    %add3A_1102 = arith.addi %add3A_62, %add3A_1101 : vector<16xi32>
    %swap3A_1103 = arith.constant 14 : i32
    %swap3A_1104 = arith.index_cast %swap3A_1103 : i32 to index
    %swap3A_1105 = arith.constant 96 : index
    %swap3A_1106 = tpu.vector_load %arg6[%swap3A_1104, %swap3A_1105] {strides = array<i32>} : memref<16x128xi32, #tpu.memory_space<vmem>>, vector<16xi32>,
    tpu.vector_store %arg6[%swap3A_1104, %swap3A_1105], %add3A_1102 {strides = array<i32>} : memref<16x128xi32, #tpu.memory_space<vmem>>, vector<16xi32>,
    %add3A_1107 = arith.constant 57728 : i32
    %add3A_1108 = vector.broadcast %add3A_1107 : i32 to vector<16xi32>
    %add3A_1109 = arith.addi %add3A_135, %add3A_1108 : vector<16xi32>
    %swap3A_1110 = arith.constant 14 : i32
    %swap3A_1111 = arith.index_cast %swap3A_1110 : i32 to index
    %swap3A_1112 = arith.constant 112 : index
    %swap3A_1113 = tpu.vector_load %arg6[%swap3A_1111, %swap3A_1112] {strides = array<i32>} : memref<16x128xi32, #tpu.memory_space<vmem>>, vector<16xi32>,
    tpu.vector_store %arg6[%swap3A_1111, %swap3A_1112], %add3A_1109 {strides = array<i32>} : memref<16x128xi32, #tpu.memory_space<vmem>>, vector<16xi32>,
    %dma_start3A_1114 = arith.constant 14 : i32
    %dma_start3A_1115 = arith.constant 14 : i32
    %dma_start3A_1116 = arith.constant 0 : i32
    %dma_start3A_1117 = tpu.memref_slice %arg7[%dma_start3A_1115, %dma_start3A_1116] : memref<16x128xf32, #tpu.memory_space<vmem>> -> memref<1x128xf32, #tpu.memory_space<vmem>>
    %dma_start3A_1118 = tpu.memref_squeeze %dma_start3A_1117 : memref<1x128xf32, #tpu.memory_space<vmem>> -> memref<128xf32, #tpu.memory_space<vmem>>
    %dma_start3A_1119 = arith.constant 0 : i32
    %dma_start3A_1120 = tpu.memref_slice %arg6[%dma_start3A_1114, %dma_start3A_1119] : memref<16x128xi32, #tpu.memory_space<vmem>> -> memref<1x128xi32, #tpu.memory_space<vmem>>
    %dma_start3A_1121 = tpu.memref_squeeze %dma_start3A_1120 : memref<1x128xi32, #tpu.memory_space<vmem>> -> memref<128xi32, #tpu.memory_space<vmem>>
    %dma_start3A_1122 = arith.constant 0 : i32
    %dma_start3A_1123 = tpu.memref_slice %arg3[%dma_start3A_1122] : memref<65536000xf32, #tpu.memory_space<hbm>> -> memref<65536000xf32, #tpu.memory_space<hbm>>
    tpu.enqueue_indirect_dma source(%dma_start3A_1123 : memref<65536000xf32, #tpu.memory_space<hbm>>) target(%dma_start3A_1118 : memref<128xf32, #tpu.memory_space<vmem>>) offsets(%dma_start3A_1121 : memref<128xi32, #tpu.memory_space<vmem>>) semaphore(%arg8 : memref<!tpu.dma_semaphore, #tpu.memory_space<semaphore_mem>>)
    %add3A_1124 = arith.constant 57856 : i32
    %add3A_1125 = vector.broadcast %add3A_1124 : i32 to vector<16xi32>
    %add3A_1126 = arith.addi %add3A_62, %add3A_1125 : vector<16xi32>
    %swap3A_1127 = arith.constant 15 : i32
    %swap3A_1128 = arith.index_cast %swap3A_1127 : i32 to index
    %swap3A_1129 = arith.constant 0 : index
    %swap3A_1130 = tpu.vector_load %arg6[%swap3A_1128, %swap3A_1129] {strides = array<i32>} : memref<16x128xi32, #tpu.memory_space<vmem>>, vector<16xi32>,
    tpu.vector_store %arg6[%swap3A_1128, %swap3A_1129], %add3A_1126 {strides = array<i32>} : memref<16x128xi32, #tpu.memory_space<vmem>>, vector<16xi32>,
    %add3A_1131 = arith.constant 57856 : i32
    %add3A_1132 = vector.broadcast %add3A_1131 : i32 to vector<16xi32>
    %add3A_1133 = arith.addi %add3A_135, %add3A_1132 : vector<16xi32>
    %swap3A_1134 = arith.constant 15 : i32
    %swap3A_1135 = arith.index_cast %swap3A_1134 : i32 to index
    %swap3A_1136 = arith.constant 16 : index
    %swap3A_1137 = tpu.vector_load %arg6[%swap3A_1135, %swap3A_1136] {strides = array<i32>} : memref<16x128xi32, #tpu.memory_space<vmem>>, vector<16xi32>,
    tpu.vector_store %arg6[%swap3A_1135, %swap3A_1136], %add3A_1133 {strides = array<i32>} : memref<16x128xi32, #tpu.memory_space<vmem>>, vector<16xi32>,
    %add3A_1138 = arith.constant 57984 : i32
    %add3A_1139 = vector.broadcast %add3A_1138 : i32 to vector<16xi32>
    %add3A_1140 = arith.addi %add3A_62, %add3A_1139 : vector<16xi32>
    %swap3A_1141 = arith.constant 15 : i32
    %swap3A_1142 = arith.index_cast %swap3A_1141 : i32 to index
    %swap3A_1143 = arith.constant 32 : index
    %swap3A_1144 = tpu.vector_load %arg6[%swap3A_1142, %swap3A_1143] {strides = array<i32>} : memref<16x128xi32, #tpu.memory_space<vmem>>, vector<16xi32>,
    tpu.vector_store %arg6[%swap3A_1142, %swap3A_1143], %add3A_1140 {strides = array<i32>} : memref<16x128xi32, #tpu.memory_space<vmem>>, vector<16xi32>,
    %add3A_1145 = arith.constant 57984 : i32
    %add3A_1146 = vector.broadcast %add3A_1145 : i32 to vector<16xi32>
    %add3A_1147 = arith.addi %add3A_135, %add3A_1146 : vector<16xi32>
    %swap3A_1148 = arith.constant 15 : i32
    %swap3A_1149 = arith.index_cast %swap3A_1148 : i32 to index
    %swap3A_1150 = arith.constant 48 : index
    %swap3A_1151 = tpu.vector_load %arg6[%swap3A_1149, %swap3A_1150] {strides = array<i32>} : memref<16x128xi32, #tpu.memory_space<vmem>>, vector<16xi32>,
    tpu.vector_store %arg6[%swap3A_1149, %swap3A_1150], %add3A_1147 {strides = array<i32>} : memref<16x128xi32, #tpu.memory_space<vmem>>, vector<16xi32>,
    %add3A_1152 = arith.constant 58112 : i32
    %add3A_1153 = vector.broadcast %add3A_1152 : i32 to vector<16xi32>
    %add3A_1154 = arith.addi %add3A_62, %add3A_1153 : vector<16xi32>
    %swap3A_1155 = arith.constant 15 : i32
    %swap3A_1156 = arith.index_cast %swap3A_1155 : i32 to index
    %swap3A_1157 = arith.constant 64 : index
    %swap3A_1158 = tpu.vector_load %arg6[%swap3A_1156, %swap3A_1157] {strides = array<i32>} : memref<16x128xi32, #tpu.memory_space<vmem>>, vector<16xi32>,
    tpu.vector_store %arg6[%swap3A_1156, %swap3A_1157], %add3A_1154 {strides = array<i32>} : memref<16x128xi32, #tpu.memory_space<vmem>>, vector<16xi32>,
    %add3A_1159 = arith.constant 58112 : i32
    %add3A_1160 = vector.broadcast %add3A_1159 : i32 to vector<16xi32>
    %add3A_1161 = arith.addi %add3A_135, %add3A_1160 : vector<16xi32>
    %swap3A_1162 = arith.constant 15 : i32
    %swap3A_1163 = arith.index_cast %swap3A_1162 : i32 to index
    %swap3A_1164 = arith.constant 80 : index
    %swap3A_1165 = tpu.vector_load %arg6[%swap3A_1163, %swap3A_1164] {strides = array<i32>} : memref<16x128xi32, #tpu.memory_space<vmem>>, vector<16xi32>,
    tpu.vector_store %arg6[%swap3A_1163, %swap3A_1164], %add3A_1161 {strides = array<i32>} : memref<16x128xi32, #tpu.memory_space<vmem>>, vector<16xi32>,
    %add3A_1166 = arith.constant 58240 : i32
    %add3A_1167 = vector.broadcast %add3A_1166 : i32 to vector<16xi32>
    %add3A_1168 = arith.addi %add3A_62, %add3A_1167 : vector<16xi32>
    %swap3A_1169 = arith.constant 15 : i32
    %swap3A_1170 = arith.index_cast %swap3A_1169 : i32 to index
    %swap3A_1171 = arith.constant 96 : index
    %swap3A_1172 = tpu.vector_load %arg6[%swap3A_1170, %swap3A_1171] {strides = array<i32>} : memref<16x128xi32, #tpu.memory_space<vmem>>, vector<16xi32>,
    tpu.vector_store %arg6[%swap3A_1170, %swap3A_1171], %add3A_1168 {strides = array<i32>} : memref<16x128xi32, #tpu.memory_space<vmem>>, vector<16xi32>,
    %add3A_1173 = arith.constant 58240 : i32
    %add3A_1174 = vector.broadcast %add3A_1173 : i32 to vector<16xi32>
    %add3A_1175 = arith.addi %add3A_135, %add3A_1174 : vector<16xi32>
    %swap3A_1176 = arith.constant 15 : i32
    %swap3A_1177 = arith.index_cast %swap3A_1176 : i32 to index
    %swap3A_1178 = arith.constant 112 : index
    %swap3A_1179 = tpu.vector_load %arg6[%swap3A_1177, %swap3A_1178] {strides = array<i32>} : memref<16x128xi32, #tpu.memory_space<vmem>>, vector<16xi32>,
    tpu.vector_store %arg6[%swap3A_1177, %swap3A_1178], %add3A_1175 {strides = array<i32>} : memref<16x128xi32, #tpu.memory_space<vmem>>, vector<16xi32>,
    %dma_start3A_1180 = arith.constant 15 : i32
    %dma_start3A_1181 = arith.constant 15 : i32
    %dma_start3A_1182 = arith.constant 0 : i32
    %dma_start3A_1183 = tpu.memref_slice %arg7[%dma_start3A_1181, %dma_start3A_1182] : memref<16x128xf32, #tpu.memory_space<vmem>> -> memref<1x128xf32, #tpu.memory_space<vmem>>
    %dma_start3A_1184 = tpu.memref_squeeze %dma_start3A_1183 : memref<1x128xf32, #tpu.memory_space<vmem>> -> memref<128xf32, #tpu.memory_space<vmem>>
    %dma_start3A_1185 = arith.constant 0 : i32
    %dma_start3A_1186 = tpu.memref_slice %arg6[%dma_start3A_1180, %dma_start3A_1185] : memref<16x128xi32, #tpu.memory_space<vmem>> -> memref<1x128xi32, #tpu.memory_space<vmem>>
    %dma_start3A_1187 = tpu.memref_squeeze %dma_start3A_1186 : memref<1x128xi32, #tpu.memory_space<vmem>> -> memref<128xi32, #tpu.memory_space<vmem>>
    %dma_start3A_1188 = arith.constant 0 : i32
    %dma_start3A_1189 = tpu.memref_slice %arg3[%dma_start3A_1188] : memref<65536000xf32, #tpu.memory_space<hbm>> -> memref<65536000xf32, #tpu.memory_space<hbm>>
    tpu.enqueue_indirect_dma source(%dma_start3A_1189 : memref<65536000xf32, #tpu.memory_space<hbm>>) target(%dma_start3A_1184 : memref<128xf32, #tpu.memory_space<vmem>>) offsets(%dma_start3A_1187 : memref<128xi32, #tpu.memory_space<vmem>>) semaphore(%arg8 : memref<!tpu.dma_semaphore, #tpu.memory_space<semaphore_mem>>)
    %dma_wait3A = arith.constant 0 : i32
    %dma_wait3A_1190 = arith.constant 0 : i32
    %dma_wait3A_1191 = arith.constant 0 : i32
    %dma_wait3A_1192 = tpu.memref_slice %arg7[%dma_wait3A_1190, %dma_wait3A_1191] : memref<16x128xf32, #tpu.memory_space<vmem>> -> memref<1x128xf32, #tpu.memory_space<vmem>>
    %dma_wait3A_1193 = tpu.memref_squeeze %dma_wait3A_1192 : memref<1x128xf32, #tpu.memory_space<vmem>> -> memref<128xf32, #tpu.memory_space<vmem>>
    %dma_wait3A_1194 = arith.constant 0 : i32
    %dma_wait3A_1195 = tpu.memref_slice %arg6[%dma_wait3A, %dma_wait3A_1194] : memref<16x128xi32, #tpu.memory_space<vmem>> -> memref<1x128xi32, #tpu.memory_space<vmem>>
    %dma_wait3A_1196 = tpu.memref_squeeze %dma_wait3A_1195 : memref<1x128xi32, #tpu.memory_space<vmem>> -> memref<128xi32, #tpu.memory_space<vmem>>
    %dma_wait3A_1197 = arith.constant 0 : i32
    %dma_wait3A_1198 = tpu.memref_slice %arg3[%dma_wait3A_1197] : memref<65536000xf32, #tpu.memory_space<hbm>> -> memref<65536000xf32, #tpu.memory_space<hbm>>
    tpu.wait_indirect_dma semaphore(%arg8 : memref<!tpu.dma_semaphore, #tpu.memory_space<semaphore_mem>>) src(%dma_wait3A_1198 : memref<65536000xf32, #tpu.memory_space<hbm>>) dst(%dma_wait3A_1193 : memref<128xf32, #tpu.memory_space<vmem>>)
    %dma_wait3A_1199 = arith.constant 1 : i32
    %dma_wait3A_1200 = arith.constant 1 : i32
    %dma_wait3A_1201 = arith.constant 0 : i32
    %dma_wait3A_1202 = tpu.memref_slice %arg7[%dma_wait3A_1200, %dma_wait3A_1201] : memref<16x128xf32, #tpu.memory_space<vmem>> -> memref<1x128xf32, #tpu.memory_space<vmem>>
    %dma_wait3A_1203 = tpu.memref_squeeze %dma_wait3A_1202 : memref<1x128xf32, #tpu.memory_space<vmem>> -> memref<128xf32, #tpu.memory_space<vmem>>
    %dma_wait3A_1204 = arith.constant 0 : i32
    %dma_wait3A_1205 = tpu.memref_slice %arg6[%dma_wait3A_1199, %dma_wait3A_1204] : memref<16x128xi32, #tpu.memory_space<vmem>> -> memref<1x128xi32, #tpu.memory_space<vmem>>
    %dma_wait3A_1206 = tpu.memref_squeeze %dma_wait3A_1205 : memref<1x128xi32, #tpu.memory_space<vmem>> -> memref<128xi32, #tpu.memory_space<vmem>>
    %dma_wait3A_1207 = arith.constant 0 : i32
    %dma_wait3A_1208 = tpu.memref_slice %arg3[%dma_wait3A_1207] : memref<65536000xf32, #tpu.memory_space<hbm>> -> memref<65536000xf32, #tpu.memory_space<hbm>>
    tpu.wait_indirect_dma semaphore(%arg8 : memref<!tpu.dma_semaphore, #tpu.memory_space<semaphore_mem>>) src(%dma_wait3A_1208 : memref<65536000xf32, #tpu.memory_space<hbm>>) dst(%dma_wait3A_1203 : memref<128xf32, #tpu.memory_space<vmem>>)
    %dma_wait3A_1209 = arith.constant 2 : i32
    %dma_wait3A_1210 = arith.constant 2 : i32
    %dma_wait3A_1211 = arith.constant 0 : i32
    %dma_wait3A_1212 = tpu.memref_slice %arg7[%dma_wait3A_1210, %dma_wait3A_1211] : memref<16x128xf32, #tpu.memory_space<vmem>> -> memref<1x128xf32, #tpu.memory_space<vmem>>
    %dma_wait3A_1213 = tpu.memref_squeeze %dma_wait3A_1212 : memref<1x128xf32, #tpu.memory_space<vmem>> -> memref<128xf32, #tpu.memory_space<vmem>>
    %dma_wait3A_1214 = arith.constant 0 : i32
    %dma_wait3A_1215 = tpu.memref_slice %arg6[%dma_wait3A_1209, %dma_wait3A_1214] : memref<16x128xi32, #tpu.memory_space<vmem>> -> memref<1x128xi32, #tpu.memory_space<vmem>>
    %dma_wait3A_1216 = tpu.memref_squeeze %dma_wait3A_1215 : memref<1x128xi32, #tpu.memory_space<vmem>> -> memref<128xi32, #tpu.memory_space<vmem>>
    %dma_wait3A_1217 = arith.constant 0 : i32
    %dma_wait3A_1218 = tpu.memref_slice %arg3[%dma_wait3A_1217] : memref<65536000xf32, #tpu.memory_space<hbm>> -> memref<65536000xf32, #tpu.memory_space<hbm>>
    tpu.wait_indirect_dma semaphore(%arg8 : memref<!tpu.dma_semaphore, #tpu.memory_space<semaphore_mem>>) src(%dma_wait3A_1218 : memref<65536000xf32, #tpu.memory_space<hbm>>) dst(%dma_wait3A_1213 : memref<128xf32, #tpu.memory_space<vmem>>)
    %dma_wait3A_1219 = arith.constant 3 : i32
    %dma_wait3A_1220 = arith.constant 3 : i32
    %dma_wait3A_1221 = arith.constant 0 : i32
    %dma_wait3A_1222 = tpu.memref_slice %arg7[%dma_wait3A_1220, %dma_wait3A_1221] : memref<16x128xf32, #tpu.memory_space<vmem>> -> memref<1x128xf32, #tpu.memory_space<vmem>>
    %dma_wait3A_1223 = tpu.memref_squeeze %dma_wait3A_1222 : memref<1x128xf32, #tpu.memory_space<vmem>> -> memref<128xf32, #tpu.memory_space<vmem>>
    %dma_wait3A_1224 = arith.constant 0 : i32
    %dma_wait3A_1225 = tpu.memref_slice %arg6[%dma_wait3A_1219, %dma_wait3A_1224] : memref<16x128xi32, #tpu.memory_space<vmem>> -> memref<1x128xi32, #tpu.memory_space<vmem>>
    %dma_wait3A_1226 = tpu.memref_squeeze %dma_wait3A_1225 : memref<1x128xi32, #tpu.memory_space<vmem>> -> memref<128xi32, #tpu.memory_space<vmem>>
    %dma_wait3A_1227 = arith.constant 0 : i32
    %dma_wait3A_1228 = tpu.memref_slice %arg3[%dma_wait3A_1227] : memref<65536000xf32, #tpu.memory_space<hbm>> -> memref<65536000xf32, #tpu.memory_space<hbm>>
    tpu.wait_indirect_dma semaphore(%arg8 : memref<!tpu.dma_semaphore, #tpu.memory_space<semaphore_mem>>) src(%dma_wait3A_1228 : memref<65536000xf32, #tpu.memory_space<hbm>>) dst(%dma_wait3A_1223 : memref<128xf32, #tpu.memory_space<vmem>>)
    %dma_wait3A_1229 = arith.constant 4 : i32
    %dma_wait3A_1230 = arith.constant 4 : i32
    %dma_wait3A_1231 = arith.constant 0 : i32
    %dma_wait3A_1232 = tpu.memref_slice %arg7[%dma_wait3A_1230, %dma_wait3A_1231] : memref<16x128xf32, #tpu.memory_space<vmem>> -> memref<1x128xf32, #tpu.memory_space<vmem>>
    %dma_wait3A_1233 = tpu.memref_squeeze %dma_wait3A_1232 : memref<1x128xf32, #tpu.memory_space<vmem>> -> memref<128xf32, #tpu.memory_space<vmem>>
    %dma_wait3A_1234 = arith.constant 0 : i32
    %dma_wait3A_1235 = tpu.memref_slice %arg6[%dma_wait3A_1229, %dma_wait3A_1234] : memref<16x128xi32, #tpu.memory_space<vmem>> -> memref<1x128xi32, #tpu.memory_space<vmem>>
    %dma_wait3A_1236 = tpu.memref_squeeze %dma_wait3A_1235 : memref<1x128xi32, #tpu.memory_space<vmem>> -> memref<128xi32, #tpu.memory_space<vmem>>
    %dma_wait3A_1237 = arith.constant 0 : i32
    %dma_wait3A_1238 = tpu.memref_slice %arg3[%dma_wait3A_1237] : memref<65536000xf32, #tpu.memory_space<hbm>> -> memref<65536000xf32, #tpu.memory_space<hbm>>
    tpu.wait_indirect_dma semaphore(%arg8 : memref<!tpu.dma_semaphore, #tpu.memory_space<semaphore_mem>>) src(%dma_wait3A_1238 : memref<65536000xf32, #tpu.memory_space<hbm>>) dst(%dma_wait3A_1233 : memref<128xf32, #tpu.memory_space<vmem>>)
    %dma_wait3A_1239 = arith.constant 5 : i32
    %dma_wait3A_1240 = arith.constant 5 : i32
    %dma_wait3A_1241 = arith.constant 0 : i32
    %dma_wait3A_1242 = tpu.memref_slice %arg7[%dma_wait3A_1240, %dma_wait3A_1241] : memref<16x128xf32, #tpu.memory_space<vmem>> -> memref<1x128xf32, #tpu.memory_space<vmem>>
    %dma_wait3A_1243 = tpu.memref_squeeze %dma_wait3A_1242 : memref<1x128xf32, #tpu.memory_space<vmem>> -> memref<128xf32, #tpu.memory_space<vmem>>
    %dma_wait3A_1244 = arith.constant 0 : i32
    %dma_wait3A_1245 = tpu.memref_slice %arg6[%dma_wait3A_1239, %dma_wait3A_1244] : memref<16x128xi32, #tpu.memory_space<vmem>> -> memref<1x128xi32, #tpu.memory_space<vmem>>
    %dma_wait3A_1246 = tpu.memref_squeeze %dma_wait3A_1245 : memref<1x128xi32, #tpu.memory_space<vmem>> -> memref<128xi32, #tpu.memory_space<vmem>>
    %dma_wait3A_1247 = arith.constant 0 : i32
    %dma_wait3A_1248 = tpu.memref_slice %arg3[%dma_wait3A_1247] : memref<65536000xf32, #tpu.memory_space<hbm>> -> memref<65536000xf32, #tpu.memory_space<hbm>>
    tpu.wait_indirect_dma semaphore(%arg8 : memref<!tpu.dma_semaphore, #tpu.memory_space<semaphore_mem>>) src(%dma_wait3A_1248 : memref<65536000xf32, #tpu.memory_space<hbm>>) dst(%dma_wait3A_1243 : memref<128xf32, #tpu.memory_space<vmem>>)
    %dma_wait3A_1249 = arith.constant 6 : i32
    %dma_wait3A_1250 = arith.constant 6 : i32
    %dma_wait3A_1251 = arith.constant 0 : i32
    %dma_wait3A_1252 = tpu.memref_slice %arg7[%dma_wait3A_1250, %dma_wait3A_1251] : memref<16x128xf32, #tpu.memory_space<vmem>> -> memref<1x128xf32, #tpu.memory_space<vmem>>
    %dma_wait3A_1253 = tpu.memref_squeeze %dma_wait3A_1252 : memref<1x128xf32, #tpu.memory_space<vmem>> -> memref<128xf32, #tpu.memory_space<vmem>>
    %dma_wait3A_1254 = arith.constant 0 : i32
    %dma_wait3A_1255 = tpu.memref_slice %arg6[%dma_wait3A_1249, %dma_wait3A_1254] : memref<16x128xi32, #tpu.memory_space<vmem>> -> memref<1x128xi32, #tpu.memory_space<vmem>>
    %dma_wait3A_1256 = tpu.memref_squeeze %dma_wait3A_1255 : memref<1x128xi32, #tpu.memory_space<vmem>> -> memref<128xi32, #tpu.memory_space<vmem>>
    %dma_wait3A_1257 = arith.constant 0 : i32
    %dma_wait3A_1258 = tpu.memref_slice %arg3[%dma_wait3A_1257] : memref<65536000xf32, #tpu.memory_space<hbm>> -> memref<65536000xf32, #tpu.memory_space<hbm>>
    tpu.wait_indirect_dma semaphore(%arg8 : memref<!tpu.dma_semaphore, #tpu.memory_space<semaphore_mem>>) src(%dma_wait3A_1258 : memref<65536000xf32, #tpu.memory_space<hbm>>) dst(%dma_wait3A_1253 : memref<128xf32, #tpu.memory_space<vmem>>)
    %dma_wait3A_1259 = arith.constant 7 : i32
    %dma_wait3A_1260 = arith.constant 7 : i32
    %dma_wait3A_1261 = arith.constant 0 : i32
    %dma_wait3A_1262 = tpu.memref_slice %arg7[%dma_wait3A_1260, %dma_wait3A_1261] : memref<16x128xf32, #tpu.memory_space<vmem>> -> memref<1x128xf32, #tpu.memory_space<vmem>>
    %dma_wait3A_1263 = tpu.memref_squeeze %dma_wait3A_1262 : memref<1x128xf32, #tpu.memory_space<vmem>> -> memref<128xf32, #tpu.memory_space<vmem>>
    %dma_wait3A_1264 = arith.constant 0 : i32
    %dma_wait3A_1265 = tpu.memref_slice %arg6[%dma_wait3A_1259, %dma_wait3A_1264] : memref<16x128xi32, #tpu.memory_space<vmem>> -> memref<1x128xi32, #tpu.memory_space<vmem>>
    %dma_wait3A_1266 = tpu.memref_squeeze %dma_wait3A_1265 : memref<1x128xi32, #tpu.memory_space<vmem>> -> memref<128xi32, #tpu.memory_space<vmem>>
    %dma_wait3A_1267 = arith.constant 0 : i32
    %dma_wait3A_1268 = tpu.memref_slice %arg3[%dma_wait3A_1267] : memref<65536000xf32, #tpu.memory_space<hbm>> -> memref<65536000xf32, #tpu.memory_space<hbm>>
    tpu.wait_indirect_dma semaphore(%arg8 : memref<!tpu.dma_semaphore, #tpu.memory_space<semaphore_mem>>) src(%dma_wait3A_1268 : memref<65536000xf32, #tpu.memory_space<hbm>>) dst(%dma_wait3A_1263 : memref<128xf32, #tpu.memory_space<vmem>>)
    %dma_wait3A_1269 = arith.constant 8 : i32
    %dma_wait3A_1270 = arith.constant 8 : i32
    %dma_wait3A_1271 = arith.constant 0 : i32
    %dma_wait3A_1272 = tpu.memref_slice %arg7[%dma_wait3A_1270, %dma_wait3A_1271] : memref<16x128xf32, #tpu.memory_space<vmem>> -> memref<1x128xf32, #tpu.memory_space<vmem>>
    %dma_wait3A_1273 = tpu.memref_squeeze %dma_wait3A_1272 : memref<1x128xf32, #tpu.memory_space<vmem>> -> memref<128xf32, #tpu.memory_space<vmem>>
    %dma_wait3A_1274 = arith.constant 0 : i32
    %dma_wait3A_1275 = tpu.memref_slice %arg6[%dma_wait3A_1269, %dma_wait3A_1274] : memref<16x128xi32, #tpu.memory_space<vmem>> -> memref<1x128xi32, #tpu.memory_space<vmem>>
    %dma_wait3A_1276 = tpu.memref_squeeze %dma_wait3A_1275 : memref<1x128xi32, #tpu.memory_space<vmem>> -> memref<128xi32, #tpu.memory_space<vmem>>
    %dma_wait3A_1277 = arith.constant 0 : i32
    %dma_wait3A_1278 = tpu.memref_slice %arg3[%dma_wait3A_1277] : memref<65536000xf32, #tpu.memory_space<hbm>> -> memref<65536000xf32, #tpu.memory_space<hbm>>
    tpu.wait_indirect_dma semaphore(%arg8 : memref<!tpu.dma_semaphore, #tpu.memory_space<semaphore_mem>>) src(%dma_wait3A_1278 : memref<65536000xf32, #tpu.memory_space<hbm>>) dst(%dma_wait3A_1273 : memref<128xf32, #tpu.memory_space<vmem>>)
    %dma_wait3A_1279 = arith.constant 9 : i32
    %dma_wait3A_1280 = arith.constant 9 : i32
    %dma_wait3A_1281 = arith.constant 0 : i32
    %dma_wait3A_1282 = tpu.memref_slice %arg7[%dma_wait3A_1280, %dma_wait3A_1281] : memref<16x128xf32, #tpu.memory_space<vmem>> -> memref<1x128xf32, #tpu.memory_space<vmem>>
    %dma_wait3A_1283 = tpu.memref_squeeze %dma_wait3A_1282 : memref<1x128xf32, #tpu.memory_space<vmem>> -> memref<128xf32, #tpu.memory_space<vmem>>
    %dma_wait3A_1284 = arith.constant 0 : i32
    %dma_wait3A_1285 = tpu.memref_slice %arg6[%dma_wait3A_1279, %dma_wait3A_1284] : memref<16x128xi32, #tpu.memory_space<vmem>> -> memref<1x128xi32, #tpu.memory_space<vmem>>
    %dma_wait3A_1286 = tpu.memref_squeeze %dma_wait3A_1285 : memref<1x128xi32, #tpu.memory_space<vmem>> -> memref<128xi32, #tpu.memory_space<vmem>>
    %dma_wait3A_1287 = arith.constant 0 : i32
    %dma_wait3A_1288 = tpu.memref_slice %arg3[%dma_wait3A_1287] : memref<65536000xf32, #tpu.memory_space<hbm>> -> memref<65536000xf32, #tpu.memory_space<hbm>>
    tpu.wait_indirect_dma semaphore(%arg8 : memref<!tpu.dma_semaphore, #tpu.memory_space<semaphore_mem>>) src(%dma_wait3A_1288 : memref<65536000xf32, #tpu.memory_space<hbm>>) dst(%dma_wait3A_1283 : memref<128xf32, #tpu.memory_space<vmem>>)
    %dma_wait3A_1289 = arith.constant 10 : i32
    %dma_wait3A_1290 = arith.constant 10 : i32
    %dma_wait3A_1291 = arith.constant 0 : i32
    %dma_wait3A_1292 = tpu.memref_slice %arg7[%dma_wait3A_1290, %dma_wait3A_1291] : memref<16x128xf32, #tpu.memory_space<vmem>> -> memref<1x128xf32, #tpu.memory_space<vmem>>
    %dma_wait3A_1293 = tpu.memref_squeeze %dma_wait3A_1292 : memref<1x128xf32, #tpu.memory_space<vmem>> -> memref<128xf32, #tpu.memory_space<vmem>>
    %dma_wait3A_1294 = arith.constant 0 : i32
    %dma_wait3A_1295 = tpu.memref_slice %arg6[%dma_wait3A_1289, %dma_wait3A_1294] : memref<16x128xi32, #tpu.memory_space<vmem>> -> memref<1x128xi32, #tpu.memory_space<vmem>>
    %dma_wait3A_1296 = tpu.memref_squeeze %dma_wait3A_1295 : memref<1x128xi32, #tpu.memory_space<vmem>> -> memref<128xi32, #tpu.memory_space<vmem>>
    %dma_wait3A_1297 = arith.constant 0 : i32
    %dma_wait3A_1298 = tpu.memref_slice %arg3[%dma_wait3A_1297] : memref<65536000xf32, #tpu.memory_space<hbm>> -> memref<65536000xf32, #tpu.memory_space<hbm>>
    tpu.wait_indirect_dma semaphore(%arg8 : memref<!tpu.dma_semaphore, #tpu.memory_space<semaphore_mem>>) src(%dma_wait3A_1298 : memref<65536000xf32, #tpu.memory_space<hbm>>) dst(%dma_wait3A_1293 : memref<128xf32, #tpu.memory_space<vmem>>)
    %dma_wait3A_1299 = arith.constant 11 : i32
    %dma_wait3A_1300 = arith.constant 11 : i32
    %dma_wait3A_1301 = arith.constant 0 : i32
    %dma_wait3A_1302 = tpu.memref_slice %arg7[%dma_wait3A_1300, %dma_wait3A_1301] : memref<16x128xf32, #tpu.memory_space<vmem>> -> memref<1x128xf32, #tpu.memory_space<vmem>>
    %dma_wait3A_1303 = tpu.memref_squeeze %dma_wait3A_1302 : memref<1x128xf32, #tpu.memory_space<vmem>> -> memref<128xf32, #tpu.memory_space<vmem>>
    %dma_wait3A_1304 = arith.constant 0 : i32
    %dma_wait3A_1305 = tpu.memref_slice %arg6[%dma_wait3A_1299, %dma_wait3A_1304] : memref<16x128xi32, #tpu.memory_space<vmem>> -> memref<1x128xi32, #tpu.memory_space<vmem>>
    %dma_wait3A_1306 = tpu.memref_squeeze %dma_wait3A_1305 : memref<1x128xi32, #tpu.memory_space<vmem>> -> memref<128xi32, #tpu.memory_space<vmem>>
    %dma_wait3A_1307 = arith.constant 0 : i32
    %dma_wait3A_1308 = tpu.memref_slice %arg3[%dma_wait3A_1307] : memref<65536000xf32, #tpu.memory_space<hbm>> -> memref<65536000xf32, #tpu.memory_space<hbm>>
    tpu.wait_indirect_dma semaphore(%arg8 : memref<!tpu.dma_semaphore, #tpu.memory_space<semaphore_mem>>) src(%dma_wait3A_1308 : memref<65536000xf32, #tpu.memory_space<hbm>>) dst(%dma_wait3A_1303 : memref<128xf32, #tpu.memory_space<vmem>>)
    %dma_wait3A_1309 = arith.constant 12 : i32
    %dma_wait3A_1310 = arith.constant 12 : i32
    %dma_wait3A_1311 = arith.constant 0 : i32
    %dma_wait3A_1312 = tpu.memref_slice %arg7[%dma_wait3A_1310, %dma_wait3A_1311] : memref<16x128xf32, #tpu.memory_space<vmem>> -> memref<1x128xf32, #tpu.memory_space<vmem>>
    %dma_wait3A_1313 = tpu.memref_squeeze %dma_wait3A_1312 : memref<1x128xf32, #tpu.memory_space<vmem>> -> memref<128xf32, #tpu.memory_space<vmem>>
    %dma_wait3A_1314 = arith.constant 0 : i32
    %dma_wait3A_1315 = tpu.memref_slice %arg6[%dma_wait3A_1309, %dma_wait3A_1314] : memref<16x128xi32, #tpu.memory_space<vmem>> -> memref<1x128xi32, #tpu.memory_space<vmem>>
    %dma_wait3A_1316 = tpu.memref_squeeze %dma_wait3A_1315 : memref<1x128xi32, #tpu.memory_space<vmem>> -> memref<128xi32, #tpu.memory_space<vmem>>
    %dma_wait3A_1317 = arith.constant 0 : i32
    %dma_wait3A_1318 = tpu.memref_slice %arg3[%dma_wait3A_1317] : memref<65536000xf32, #tpu.memory_space<hbm>> -> memref<65536000xf32, #tpu.memory_space<hbm>>
    tpu.wait_indirect_dma semaphore(%arg8 : memref<!tpu.dma_semaphore, #tpu.memory_space<semaphore_mem>>) src(%dma_wait3A_1318 : memref<65536000xf32, #tpu.memory_space<hbm>>) dst(%dma_wait3A_1313 : memref<128xf32, #tpu.memory_space<vmem>>)
    %dma_wait3A_1319 = arith.constant 13 : i32
    %dma_wait3A_1320 = arith.constant 13 : i32
    %dma_wait3A_1321 = arith.constant 0 : i32
    %dma_wait3A_1322 = tpu.memref_slice %arg7[%dma_wait3A_1320, %dma_wait3A_1321] : memref<16x128xf32, #tpu.memory_space<vmem>> -> memref<1x128xf32, #tpu.memory_space<vmem>>
    %dma_wait3A_1323 = tpu.memref_squeeze %dma_wait3A_1322 : memref<1x128xf32, #tpu.memory_space<vmem>> -> memref<128xf32, #tpu.memory_space<vmem>>
    %dma_wait3A_1324 = arith.constant 0 : i32
    %dma_wait3A_1325 = tpu.memref_slice %arg6[%dma_wait3A_1319, %dma_wait3A_1324] : memref<16x128xi32, #tpu.memory_space<vmem>> -> memref<1x128xi32, #tpu.memory_space<vmem>>
    %dma_wait3A_1326 = tpu.memref_squeeze %dma_wait3A_1325 : memref<1x128xi32, #tpu.memory_space<vmem>> -> memref<128xi32, #tpu.memory_space<vmem>>
    %dma_wait3A_1327 = arith.constant 0 : i32
    %dma_wait3A_1328 = tpu.memref_slice %arg3[%dma_wait3A_1327] : memref<65536000xf32, #tpu.memory_space<hbm>> -> memref<65536000xf32, #tpu.memory_space<hbm>>
    tpu.wait_indirect_dma semaphore(%arg8 : memref<!tpu.dma_semaphore, #tpu.memory_space<semaphore_mem>>) src(%dma_wait3A_1328 : memref<65536000xf32, #tpu.memory_space<hbm>>) dst(%dma_wait3A_1323 : memref<128xf32, #tpu.memory_space<vmem>>)
    %dma_wait3A_1329 = arith.constant 14 : i32
    %dma_wait3A_1330 = arith.constant 14 : i32
    %dma_wait3A_1331 = arith.constant 0 : i32
    %dma_wait3A_1332 = tpu.memref_slice %arg7[%dma_wait3A_1330, %dma_wait3A_1331] : memref<16x128xf32, #tpu.memory_space<vmem>> -> memref<1x128xf32, #tpu.memory_space<vmem>>
    %dma_wait3A_1333 = tpu.memref_squeeze %dma_wait3A_1332 : memref<1x128xf32, #tpu.memory_space<vmem>> -> memref<128xf32, #tpu.memory_space<vmem>>
    %dma_wait3A_1334 = arith.constant 0 : i32
    %dma_wait3A_1335 = tpu.memref_slice %arg6[%dma_wait3A_1329, %dma_wait3A_1334] : memref<16x128xi32, #tpu.memory_space<vmem>> -> memref<1x128xi32, #tpu.memory_space<vmem>>
    %dma_wait3A_1336 = tpu.memref_squeeze %dma_wait3A_1335 : memref<1x128xi32, #tpu.memory_space<vmem>> -> memref<128xi32, #tpu.memory_space<vmem>>
    %dma_wait3A_1337 = arith.constant 0 : i32
    %dma_wait3A_1338 = tpu.memref_slice %arg3[%dma_wait3A_1337] : memref<65536000xf32, #tpu.memory_space<hbm>> -> memref<65536000xf32, #tpu.memory_space<hbm>>
    tpu.wait_indirect_dma semaphore(%arg8 : memref<!tpu.dma_semaphore, #tpu.memory_space<semaphore_mem>>) src(%dma_wait3A_1338 : memref<65536000xf32, #tpu.memory_space<hbm>>) dst(%dma_wait3A_1333 : memref<128xf32, #tpu.memory_space<vmem>>)
    %dma_wait3A_1339 = arith.constant 15 : i32
    %dma_wait3A_1340 = arith.constant 15 : i32
    %dma_wait3A_1341 = arith.constant 0 : i32
    %dma_wait3A_1342 = tpu.memref_slice %arg7[%dma_wait3A_1340, %dma_wait3A_1341] : memref<16x128xf32, #tpu.memory_space<vmem>> -> memref<1x128xf32, #tpu.memory_space<vmem>>
    %dma_wait3A_1343 = tpu.memref_squeeze %dma_wait3A_1342 : memref<1x128xf32, #tpu.memory_space<vmem>> -> memref<128xf32, #tpu.memory_space<vmem>>
    %dma_wait3A_1344 = arith.constant 0 : i32
    %dma_wait3A_1345 = tpu.memref_slice %arg6[%dma_wait3A_1339, %dma_wait3A_1344] : memref<16x128xi32, #tpu.memory_space<vmem>> -> memref<1x128xi32, #tpu.memory_space<vmem>>
    %dma_wait3A_1346 = tpu.memref_squeeze %dma_wait3A_1345 : memref<1x128xi32, #tpu.memory_space<vmem>> -> memref<128xi32, #tpu.memory_space<vmem>>
    %dma_wait3A_1347 = arith.constant 0 : i32
    %dma_wait3A_1348 = tpu.memref_slice %arg3[%dma_wait3A_1347] : memref<65536000xf32, #tpu.memory_space<hbm>> -> memref<65536000xf32, #tpu.memory_space<hbm>>
    tpu.wait_indirect_dma semaphore(%arg8 : memref<!tpu.dma_semaphore, #tpu.memory_space<semaphore_mem>>) src(%dma_wait3A_1348 : memref<65536000xf32, #tpu.memory_space<hbm>>) dst(%dma_wait3A_1343 : memref<128xf32, #tpu.memory_space<vmem>>)
    "tpu.region"() ({
      %run_scoped3A = tpu.sem_alloc : memref<!tpu.dma_semaphore, #tpu.memory_space<semaphore_mem>>
      %dma_start3A_1349 = arith.constant 0 : i32
      %dma_start3A_1350 = arith.constant 0 : i32
      %dma_start3A_1351 = tpu.memref_slice %arg4[%add3A, %dma_start3A_1349, %dma_start3A_1350] : memref<32x16x128xf32, #tpu.memory_space<hbm>> -> memref<1x16x128xf32, #tpu.memory_space<hbm>>
      %dma_start3A_1352 = tpu.memref_squeeze %dma_start3A_1351 : memref<1x16x128xf32, #tpu.memory_space<hbm>> -> memref<16x128xf32, #tpu.memory_space<hbm>>
      %dma_start3A_1353 = arith.constant 0 : i32
      %dma_start3A_1354 = arith.constant 0 : i32
      %dma_start3A_1355 = tpu.memref_slice %arg4[%add3A, %dma_start3A_1353, %dma_start3A_1354] : memref<32x16x128xf32, #tpu.memory_space<hbm>> -> memref<1x16x128xf32, #tpu.memory_space<hbm>>
      %dma_start3A_1356 = tpu.memref_squeeze %dma_start3A_1355 : memref<1x16x128xf32, #tpu.memory_space<hbm>> -> memref<16x128xf32, #tpu.memory_space<hbm>>
      tpu.enqueue_dma source(%arg7 : memref<16x128xf32, #tpu.memory_space<vmem>>) target(%dma_start3A_1356 : memref<16x128xf32, #tpu.memory_space<hbm>>) target_semaphore(%run_scoped3A : memref<!tpu.dma_semaphore, #tpu.memory_space<semaphore_mem>>)
      %dma_wait3A_1357 = arith.constant 0 : i32
      %dma_wait3A_1358 = arith.constant 0 : i32
      %dma_wait3A_1359 = tpu.memref_slice %arg4[%add3A, %dma_wait3A_1357, %dma_wait3A_1358] : memref<32x16x128xf32, #tpu.memory_space<hbm>> -> memref<1x16x128xf32, #tpu.memory_space<hbm>>
      %dma_wait3A_1360 = tpu.memref_squeeze %dma_wait3A_1359 : memref<1x16x128xf32, #tpu.memory_space<hbm>> -> memref<16x128xf32, #tpu.memory_space<hbm>>
      %dma_wait3A_1361 = arith.constant 0 : i32
      %dma_wait3A_1362 = arith.constant 0 : i32
      %dma_wait3A_1363 = tpu.memref_slice %arg4[%add3A, %dma_wait3A_1361, %dma_wait3A_1362] : memref<32x16x128xf32, #tpu.memory_space<hbm>> -> memref<1x16x128xf32, #tpu.memory_space<hbm>>
      %dma_wait3A_1364 = tpu.memref_squeeze %dma_wait3A_1363 : memref<1x16x128xf32, #tpu.memory_space<hbm>> -> memref<16x128xf32, #tpu.memory_space<hbm>>
      tpu.wait_dma2 semaphore(%run_scoped3A : memref<!tpu.dma_semaphore, #tpu.memory_space<semaphore_mem>>) src(%arg7 : memref<16x128xf32, #tpu.memory_space<vmem>>) dst(%dma_wait3A_1364 : memref<16x128xf32, #tpu.memory_space<hbm>>)
      tpu.yield
    }) : () -> ()
    return
  }
}

module attributes {stable_mosaic.version = 14 : i64} {
  func.func @_gru_body(%arg0: memref<64x1024xf32, #tpu.memory_space<vmem>>, %arg1: memref<64x1024xf32, #tpu.memory_space<vmem>>, %arg2: memref<64x192xf32, #tpu.memory_space<vmem>>, %arg3: memref<64x192xf32, #tpu.memory_space<vmem>>, %arg4: memref<64x1xf32, #tpu.memory_space<vmem>>, %arg5: memref<64x1xf32, #tpu.memory_space<vmem>>, %arg6: memref<64x1xf32, #tpu.memory_space<vmem>>, %arg7: memref<64x1xf32, #tpu.memory_space<vmem>>, %arg8: memref<64x1024xf32, #tpu.memory_space<vmem>>) attributes {dimension_semantics = [], scalar_prefetch = 0 : i64, scratch_operands = 0 : i64, tpu.core_type = #tpu.core_type<tc>} {
    %get3A = arith.constant 0 : index
    %get3A_0 = arith.constant 0 : index
    %get3A_1 = vector.load %arg1[%get3A, %get3A_0] : memref<64x1024xf32, #tpu.memory_space<vmem>>, vector<64x1024xf32>
    %get3A_2 = arith.constant 0 : index
    %get3A_3 = arith.constant 0 : index
    %get3A_4 = vector.load %arg2[%get3A_2, %get3A_3] : memref<64x192xf32, #tpu.memory_space<vmem>>, vector<64x192xf32>
    %get3A_5 = arith.constant 0 : index
    %get3A_6 = arith.constant 0 : index
    %get3A_7 = vector.load %arg0[%get3A_5, %get3A_6] : memref<64x1024xf32, #tpu.memory_space<vmem>>, vector<64x1024xf32>
    %dot_general3A = arith.constant dense<0.000000e+00> : vector<192x1024xf32>
    %dot_general3A_8 = tpu.matmul %get3A_4, %get3A_7, %dot_general3A {dimension_numbers = #tpu.dot_dimension_numbers<[0], [0], [1], [1], [0, 1, 1, 1], [], []>, transpose_lhs_hint = false} : vector<64x192xf32>, vector<64x1024xf32>, vector<192x1024xf32> -> vector<192x1024xf32>
    %get3A_9 = arith.constant 0 : index
    %get3A_10 = arith.constant 0 : index
    %get3A_11 = vector.load %arg3[%get3A_9, %get3A_10] : memref<64x192xf32, #tpu.memory_space<vmem>>, vector<64x192xf32>
    %dot_general3A_12 = arith.constant dense<0.000000e+00> : vector<192x1024xf32>
    %dot_general3A_13 = tpu.matmul %get3A_11, %get3A_1, %dot_general3A_12 {dimension_numbers = #tpu.dot_dimension_numbers<[0], [0], [1], [1], [0, 1, 1, 1], [], []>, transpose_lhs_hint = false} : vector<64x192xf32>, vector<64x1024xf32>, vector<192x1024xf32> -> vector<192x1024xf32>
    %slice3A = vector.extract_strided_slice %dot_general3A_8 {offsets = [0, 0], sizes = [64, 1024], strides = [1, 1]} : vector<192x1024xf32> to vector<64x1024xf32>
    %slice3A_14 = vector.extract_strided_slice %dot_general3A_13 {offsets = [0, 0], sizes = [64, 1024], strides = [1, 1]} : vector<192x1024xf32> to vector<64x1024xf32>
    %add3A = arith.addf %slice3A, %slice3A_14 : vector<64x1024xf32>
    %get3A_15 = arith.constant 0 : index
    %get3A_16 = arith.constant 0 : index
    %get3A_17 = vector.load %arg4[%get3A_15, %get3A_16] : memref<64x1xf32, #tpu.memory_space<vmem>>, vector<64x1xf32>
    %add3A_18 = vector.broadcast %get3A_17 : vector<64x1xf32> to vector<64x1024xf32>
    %add3A_19 = arith.addf %add3A, %add3A_18 : vector<64x1024xf32>
    %logistic3A = arith.negf %add3A_19 : vector<64x1024xf32>
    %logistic3A_20 = math.exp %logistic3A : vector<64x1024xf32>
    %logistic3A_21 = arith.constant 1.000000e+00 : f32
    %logistic3A_22 = vector.broadcast %logistic3A_21 : f32 to vector<64x1024xf32>
    %logistic3A_23 = arith.addf %logistic3A_22, %logistic3A_20 : vector<64x1024xf32>
    %logistic3A_24 = arith.divf %logistic3A_22, %logistic3A_23 : vector<64x1024xf32>
    %slice3A_25 = vector.extract_strided_slice %dot_general3A_8 {offsets = [64, 0], sizes = [64, 1024], strides = [1, 1]} : vector<192x1024xf32> to vector<64x1024xf32>
    %slice3A_26 = vector.extract_strided_slice %dot_general3A_13 {offsets = [64, 0], sizes = [64, 1024], strides = [1, 1]} : vector<192x1024xf32> to vector<64x1024xf32>
    %add3A_27 = arith.addf %slice3A_25, %slice3A_26 : vector<64x1024xf32>
    %get3A_28 = arith.constant 0 : index
    %get3A_29 = arith.constant 0 : index
    %get3A_30 = vector.load %arg5[%get3A_28, %get3A_29] : memref<64x1xf32, #tpu.memory_space<vmem>>, vector<64x1xf32>
    %add3A_31 = vector.broadcast %get3A_30 : vector<64x1xf32> to vector<64x1024xf32>
    %add3A_32 = arith.addf %add3A_27, %add3A_31 : vector<64x1024xf32>
    %logistic3A_33 = arith.negf %add3A_32 : vector<64x1024xf32>
    %logistic3A_34 = math.exp %logistic3A_33 : vector<64x1024xf32>
    %logistic3A_35 = arith.constant 1.000000e+00 : f32
    %logistic3A_36 = vector.broadcast %logistic3A_35 : f32 to vector<64x1024xf32>
    %logistic3A_37 = arith.addf %logistic3A_36, %logistic3A_34 : vector<64x1024xf32>
    %logistic3A_38 = arith.divf %logistic3A_36, %logistic3A_37 : vector<64x1024xf32>
    %slice3A_39 = vector.extract_strided_slice %dot_general3A_13 {offsets = [128, 0], sizes = [64, 1024], strides = [1, 1]} : vector<192x1024xf32> to vector<64x1024xf32>
    %get3A_40 = arith.constant 0 : index
    %get3A_41 = arith.constant 0 : index
    %get3A_42 = vector.load %arg7[%get3A_40, %get3A_41] : memref<64x1xf32, #tpu.memory_space<vmem>>, vector<64x1xf32>
    %add3A_43 = vector.broadcast %get3A_42 : vector<64x1xf32> to vector<64x1024xf32>
    %add3A_44 = arith.addf %slice3A_39, %add3A_43 : vector<64x1024xf32>
    %slice3A_45 = vector.extract_strided_slice %dot_general3A_8 {offsets = [128, 0], sizes = [64, 1024], strides = [1, 1]} : vector<192x1024xf32> to vector<64x1024xf32>
    %get3A_46 = arith.constant 0 : index
    %get3A_47 = arith.constant 0 : index
    %get3A_48 = vector.load %arg6[%get3A_46, %get3A_47] : memref<64x1xf32, #tpu.memory_space<vmem>>, vector<64x1xf32>
    %add3A_49 = vector.broadcast %get3A_48 : vector<64x1xf32> to vector<64x1024xf32>
    %add3A_50 = arith.addf %slice3A_45, %add3A_49 : vector<64x1024xf32>
    %mul3A = arith.mulf %logistic3A_24, %add3A_44 : vector<64x1024xf32>
    %add3A_51 = arith.addf %add3A_50, %mul3A : vector<64x1024xf32>
    %tanh3A = math.tanh %add3A_51 : vector<64x1024xf32>
    %sub3A = arith.constant 1.000000e+00 : f32
    %sub3A_52 = vector.broadcast %sub3A : f32 to vector<64x1024xf32>
    %sub3A_53 = arith.subf %sub3A_52, %logistic3A_38 : vector<64x1024xf32>
    %mul3A_54 = arith.mulf %sub3A_53, %tanh3A : vector<64x1024xf32>
    %mul3A_55 = arith.mulf %logistic3A_38, %get3A_1 : vector<64x1024xf32>
    %add3A_56 = arith.addf %mul3A_54, %mul3A_55 : vector<64x1024xf32>
    %swap3A = arith.constant 0 : index
    %swap3A_57 = arith.constant 0 : index
    %swap3A_58 = vector.load %arg8[%swap3A, %swap3A_57] : memref<64x1024xf32, #tpu.memory_space<vmem>>, vector<64x1024xf32>
    tpu.vector_store %arg8[%swap3A, %swap3A_57], %add3A_56 {strides = array<i32>} : memref<64x1024xf32, #tpu.memory_space<vmem>>, vector<64x1024xf32>,
    return
  }
}

</mosaic_0001>

<sc_bundles>
// kernel: kernel.4.cloned.1.call-start
scs
__scs_entry_jumppad:
0x0: {  	(pc) =	sbr.rel $0x88, $3  }
0x1: {  	(tag) =	ssettag $0x0;
	lr =	simm.s32 $0x1  }
0x2: {  	[smem:$0x3F9A] =	sst lr;
	_ =	strace $0xD0000000  }
0x3: {  	_ = 	snop  }
0x4: {  	_ = 	snop  }
0x5: {  	_ = 	snop  }
0x6: {  	_ = 	snop  }
0x7: {  	_ = 	snop  }
__scs_overlays_trampoline_lowered:
0x8: {  	[smem:$0x3FA9] =	sst s0  }
0x9: {  	[smem:$0x3FAA] =	sst s1  }
0xa: {  	[smem:$0x3FAB] =	sst s2  }
0xb: {  	[smem:$0x3FAC] =	sst s3  }
0xc: {  	[smem:$0x3FAD] =	sst s4  }
0xd: {  	[smem:$0x3FAE] =	sst s5  }
0xe: {  	[smem:$0x3FAF] =	sst s6  }
0xf: {  	[smem:$0x3FB0] =	sst s7  }
0x10: {  	[smem:$0x3FB1] =	sst s8  }
0x11: {  	[smem:$0x3FB2] =	sst s9;
	s0 =	simm.s32 @!p0 $0x0  }
0x12: {  	s1 =	sld [smem:$0x3F98];
	s0 =	simm.s32 @p0 $0x1  }
0x13: {  	[smem:$0x3FB3] =	sst s0;
	s0 =	simm.s32 @!p1 $0x0  }
0x14: {  	s2 =	sld [smem:$0x3F97];
	s0 =	simm.s32 @p1 $0x1  }
0x15: {  	[smem:$0x3FB4] =	sst s0;
	s0 =	simm.s32 @!p2 $0x0  }
0x16: {  	s3 =	sld [smem:$0x3FDB];
	s0 =	simm.s32 @p2 $0x1  }
0x17: {  	s4 =	simm.s32 $0x1BF5;
	[smem:$0x3FB6] =	sst s0  }
0x18: {  	s0 =	sld [smem:$0x3F99];
	_ =	swait.ge [sflag:s4], $0x0  }
0x19: {  	s7 =	sld [smem:$0x3F9A]  }
0x1a: {  	s8 =	sadd.s32 $0xFFFFE003, lr  }
0x1b: {  	s9 =	sadd.s32 $0xFFFFFEF7, lr;
	s5 =	simm.s32 $0xFFFFFFFF;
	p2 =	slt.u32 s8, $0xFFFFF086  }
0x1c: {  	p1 =	slt.u32 s9, $0xF7A;
	s5 =	simm.s32 @!p2 $0x0  }
0x1d: {  	s5 =	simm.s32 @p1 $0x1;
	p0 =	seq.s32 s7, s2  }
0x1e: {  	s7 =	smul.u32 @!p0 $0xF7A, s2;
	p2 =	seq.s32 @!p0 s5, $0x0  }
0x1f: {  	s9 =	smul.u32 $0xF7A, s1;
	s8 =	simm.s32 @!p0 $0x1BF5;
	p2 =	por !p2, p0  }
0x20: {  	[sflag:s8] =	ssyncset.s32 @!p0 $0xFFFFF086;
	s6 =	sadd.s32 @!p0 s3, s7;
	s7 =	simm.s32 @!p0 $0x108  }
0x21: {  	s3 =	sadd.s32 s3, s9;
	s6 =	sadd.s32 @!p0 $0x88, s6;
	s7 =	simm.s32 @p2 $0x1082  }
0x22: {  	[simem:s7], [sflag:s8] =	dma.local @!p0 [hbm:s6], $0xF7A  }
0x23: {  	s9 =	sor.u32 $0xD0000000, s2;
	s6 =	simm.s32 $0x108;
	_ =	swait.ge @!p0 [sflag:s8], $0x0  }
0x24: {  	s3 =	sadd.s32 $0x88, s3;
	s6 =	simm.s32 @!p1 $0x1082;
	[sflag:s4] =	ssyncset.s32 $0xFFFFF086  }
0x25: {  	[simem:s6], [sflag:s4] =	dma.local [hbm:s3], $0xF7A  }
0x26: {  	[smem:$0x3F9A] =	sst s1;
	(tag) =	ssettag s2;
	_ =	strace s9  }
0x27: {  	s1 =	sld [smem:$0x3FAA]  }
0x28: {  	s2 =	sld [smem:$0x3FAB]  }
0x29: {  	s4 =	sld [smem:$0x3FAD]  }
0x2a: {  	p0 =	seq.s32 s5, $0x0;
	s5 =	sld [smem:$0x3FAE]  }
0x2b: {  	s6 =	sld [smem:$0x3FAF]  }
0x2c: {  	s7 =	sld [smem:$0x3FB0]  }
0x2d: {  	s3 =	simm.s32 $0x108;
	s8 =	sld [smem:$0x3FB1]  }
0x2e: {  	s3 =	simm.s32 @!p0 $0x1082;
	s9 =	sld [smem:$0x3FB2]  }
0x2f: {  	lr =	sadd.s32 s0, s3;
	s0 =	sld [smem:$0x3FA9]  }
0x30: {  	s3 =	sld [smem:$0x3FAC]  }
0x31: {  	[smem:$0x3FB5] =	sst s10  }
0x32: {  	s10 =	sld [smem:$0x3FB3];
	_ =	sdelay $0x3  }
0x33: {  	p0 =	seq.s32 s10, $0x1;
	s10 =	sld [smem:$0x3FB5];
	_ =	sdelay $0x3  }
0x34: {  	[smem:$0x3FB5] =	sst s10  }
0x35: {  	s10 =	sld [smem:$0x3FB4];
	_ =	sdelay $0x3  }
0x36: {  	p1 =	seq.s32 s10, $0x1;
	s10 =	sld [smem:$0x3FB5];
	_ =	sdelay $0x3  }
0x37: {  	[smem:$0x3FB5] =	sst s10  }
0x38: {  	s10 =	sld [smem:$0x3FB6]  }
0x39: {  	_ = 	snop;
	(pc) =	sbr.ind lr, $3  }
0x3a: {  	_ = 	snop  }
0x3b: {  	_ = 	snop  }
0x3c: {  	p2 =	seq.s32 s10, $0x1;
	s10 =	sld [smem:$0x3FB5]  }
0x3d: {  	_ =	shalt  }
0x3e: {  	_ =	shalt  }
0x3f: {  	_ =	shalt  }
0x40: {  	_ =	shalt  }
0x41: {  	_ =	shalt  }
0x42: {  	_ =	shalt  }
0x43: {  	_ =	shalt  }
0x44: {  	_ =	shalt  }
0x45: {  	_ =	shalt  }
0x46: {  	_ =	shalt  }
0x47: {  	_ =	shalt  }
0x48: {  	_ =	shalt  }
0x49: {  	_ =	shalt  }
0x4a: {  	_ =	shalt  }
0x4b: {  	_ =	shalt  }
0x4c: {  	_ =	shalt  }
0x4d: {  	_ =	shalt  }
0x4e: {  	_ =	shalt  }
0x4f: {  	_ =	shalt  }
0x50: {  	_ =	shalt  }
0x51: {  	_ =	shalt  }
0x52: {  	_ =	shalt  }
0x53: {  	_ =	shalt  }
0x54: {  	_ =	shalt  }
0x55: {  	_ =	shalt  }
0x56: {  	_ =	shalt  }
0x57: {  	_ =	shalt  }
0x58: {  	_ =	shalt  }
0x59: {  	_ =	shalt  }
0x5a: {  	_ =	shalt  }
0x5b: {  	_ =	shalt  }
0x5c: {  	_ =	shalt  }
0x5d: {  	_ =	shalt  }
0x5e: {  	_ =	shalt  }
0x5f: {  	_ =	shalt  }
0x60: {  	_ =	shalt  }
0x61: {  	_ =	shalt  }
0x62: {  	_ =	shalt  }
0x63: {  	_ =	shalt  }
0x64: {  	_ =	shalt  }
0x65: {  	_ =	shalt  }
0x66: {  	_ =	shalt  }
0x67: {  	_ =	shalt  }
0x68: {  	_ =	shalt  }
0x69: {  	_ =	shalt  }
0x6a: {  	_ =	shalt  }
0x6b: {  	_ =	shalt  }
0x6c: {  	_ =	shalt  }
0x6d: {  	_ =	shalt  }
0x6e: {  	_ =	shalt  }
0x6f: {  	_ =	shalt  }
0x70: {  	_ =	shalt  }
0x71: {  	_ =	shalt  }
0x72: {  	_ =	shalt  }
0x73: {  	_ =	shalt  }
0x74: {  	_ =	shalt  }
0x75: {  	_ =	shalt  }
0x76: {  	_ =	shalt  }
0x77: {  	_ =	shalt  }
0x78: {  	_ =	shalt  }
0x79: {  	_ =	shalt  }
0x7a: {  	_ =	shalt  }
0x7b: {  	_ =	shalt  }
0x7c: {  	_ =	shalt  }
0x7d: {  	_ =	shalt  }
0x7e: {  	_ =	shalt  }
0x7f: {  	_ =	shalt  }
0x80: {  	_ =	shalt  }
0x81: {  	_ =	shalt  }
0x82: {  	_ =	shalt  }
0x83: {  	_ =	shalt  }
0x84: {  	_ =	shalt  }
0x85: {  	_ =	shalt  }
0x86: {  	_ =	shalt  }
0x87: {  	_ =	shalt  }
.Lfunc_end0:
.L_simem_size_0:
called_computation_lowered:
.L_overlay_start_0:
0x88: {  	s2 =	sld [smem:$0x3FD9]  }
0x89: {  	s3 =	sld [smem:$0x3FFE];
	_ =	sdelay $0x1  }
0x8a: {  	s1 =	srdreg.scid  }
0x8b: {  	s0 =	sand.u32 $0x1, s1  }
0x8c: {  	s18 =	sshll.u32 s0, $0xA;
	s2 =	sadd.s32 s3, s2  }
0x8d: {  	s2 =	sadd.s32 s2, s18  }
0x8e: {  	[smem:$0x3FC1] =	sst s2  }
0x8f: {  	_ = 	snop  }
0x90: {  	s2 =	sld [smem:$0x3FC8]  }
0x91: {  	s19 =	sld [smem:$0x3FC7]  }
0x92: {  	s4 =	sld [smem:$0x3FD0];
	(tm) =	ssettm $0x1  }
0x93: {  	s5 =	sld [smem:$0x3FFB];
	_ =	sdelay $0x3  }
0x94: {  	_ =	strace s5  }
0x95: {  	s5 =	sld [smem:$0x3FFC];
	_ =	sdelay $0x3  }
0x96: {  	_ =	strace s5  }
0x97: {  	s5 =	sld [smem:$0x3FFD];
	_ =	sdelay $0x3  }
0x98: {  	_ =	strace s5  }
0x99: {  	_ =	strace $0x8FFFFFFF  }
0x9a: {  	s20 =	sld [smem:$0x3FDB];
	_ =	sdelay $0x1  }
0x9b: {  	s6 =	simm.s32 $_scs_section_size  }
0x9c: {  	s7 =	simm.s32 $_size__tile_overlayer_lowered;
	s8 =	simm.s32 $_tile_overlayer_lowered  }
0x9d: {  	s23 =	simm.s32 $0x1BFF;
	s22 =	sshll.u32 s8, $0x1;
	s5 =	sadd.s32 s6, s20  }
0x9e: {  	s9 =	simm.s32 $0x0;
	s21 =	sshll.u32 s7, $0x1;
	s7 =	sadd.s32 s22, s5  }
0x9f: {  	[timem:s9], [sflag:s23] =	dma.local [hbm:s7], s21  }
0xa0: {  	_ =	swait.ge [sflag:s23], s21  }
0xa1: {  	s6 =	ssub.s32 $0x0, s21;
	[sflag:s23] =	ssyncset.done $0x0  }
0xa2: {  	[sflag:s23] =	ssyncadd.s32 s6;
	_ =	sdelay $0x1  }
0xa3: {  	s24 =	simm.s32 $0x1B8B  }
0xa4: {  	_ =	swait.ge [sflag:s24], $0x1  }
0xa5: {  	[sflag:s24] =	ssyncset.done $0x0  }
0xa6: {  	s25 =	simm.s32 $0x1B8E;
	[sflag:s24] =	ssyncadd.s32 $0xFFFFFFFF  }
0xa7: {  	s26 =	simm.s32 $execute0_lowered;
	[smem:$0x3FD2] =	sst s25  }
0xa8: {  	s6 =	sshll.u32 s26, $0x1;
	_ =	strace $0x80000046;
	[dreg:$0x1] =	wrdreg $0xFFFFFFFF  }
0xa9: {  	s28 =	simm.s32 $_size_execute0_lowered;
	s5 =	sadd.s32 s5, s6;
	[dreg:$0x0] =	wrdreg $0x0  }
0xaa: {  	s6 =	sshll.u32 s28, $0x1;
	[dreg:$0x2] =	wrdreg s5  }
0xab: {  	[dreg:$0x3] =	wrdreg s6  }
0xac: {  	[dreg:$0x4] =	wrdreg $0xC0  }
0xad: {  	_ =	task [dreg:s9], $0x5FFFF  }
0xae: {  	[dreg:$0x1] =	wrdreg $0xFFFFFFFF  }
0xaf: {  	[dreg:$0x0] =	wrdreg $0x60  }
0xb0: {  	[dreg:$0x2] =	wrdreg s2  }
0xb1: {  	[dreg:$0x3] =	wrdreg s19  }
0xb2: {  	[dreg:$0x4] =	wrdreg s4  }
0xb3: {  	[dreg:$0x5] =	wrdreg $0x9  }
0xb4: {  	_ =	task.clear_ibuf [dreg:s9], $0x6FFFF;
	_ =	strace $0x90000046  }
0xb5: {  	s29 =	simm.s32 $0x9;
	_ =	strace $0x80000048  }
0xb6: {  	_ =	swait.ge [sflag:s29], $0x1  }
0xb7: {  	[sflag:s29] =	ssyncadd.s32 $0xFFFFFFFF  }
0xb8: {  	_ =	strace $0x90000048  }
0xb9: {  	_ =	sfence  }
0xba: {  	s30 =	sld [smem:$0x0];
	_ =	sdelay $0x2  }
0xbb: {  	s31 =	sshll.u32 s1, $0xD;
	s1 =	sshrl.u32 s1, $0x2  }
0xbc: {  	s3 =	sand.u32 $0x4000, s31;
	s1 =	sadd.s32 s1, s30  }
0xbd: {  	s0 =	sor.u32 s3, s0;
	s1 =	sshll.u32 s1, $0x11  }
0xbe: {  	s0 =	sor.u32 s1, s0  }
0xbf: {  	s0 =	sadd.s32 $0x8F2B, s0  }
0xc0: {  	[sflag:s0] =	ssyncadd.remote.s32 $0x1  }
0xc1: {  	_ =	sfence.sel $0xFFFF  }
0xc2: {  	[dreg:$0x0] =	wrdreg $0xFFFFFFFF;
	(pc) =	sbr.abs _section_cstart, $3  }
0xc3: {  	[dreg:$0x1] =	wrdreg $0xFFFFFFFF  }
0xc4: {  	_ =	task.clear_ibuf [dreg:s9], $0x2FFFF;
	_ =	strace $0x9FFFFFFF  }
0xc5: {  	(tm) =	ssettm $0x7FFFFFFF  }
tec
execute0_lowered:
.L_overlay_start_1:
0x0: {  	(tag) =	ssettag $0x1  }
0x1: {  	s1 =	rddreg [dreg:$0x0]  }
0x2: {  	s2 =	rddreg [dreg:$0x1];
	s3 =	srdreg.scid  }
0x3: {  	s0 =	stileid.u32;
	s4 =	rddreg [dreg:$0x2];
	s19 =	simm.s32 $0x100  }
0x4: {  	s20 =	simm.s32 $0x900;
	s21 =	simm.s32 $0x180;
	s22 =	simm.s32 $0x980  }
0x5: {  	s24 =	simm.s32 $0x200;
	s25 =	simm.s32 $0xA00;
	s26 =	simm.s32 $0x280  }
0x6: {  	s9 =	simm.s32 $0x300;
	s10 =	simm.s32 $0xB00;
	s12 =	simm.s32 $0xB80  }
0x7: {  	s13 =	simm.s32 $0x400;
	s5 =	sand.u32 $0x1, s3;
	s3 =	simm.s32 $0x0  }
0x8: {  	s14 =	simm.s32 $0xC00;
	s15 =	simm.s32 $0x480;
	[smem:$0x7FF] =	sst s3  }
0x9: {  	s28 =	simm.s32 $0x780;
	_ =	strace $0x80000047;
	[dreg:$0x6] =	wrdreg s19  }
0xa: {  	s29 =	simm.s32 $0xF80;
	s30 =	simm.s32 $0x800;
	[dreg:$0x7] =	wrdreg s20  }
0xb: {  	s31 =	simm.s32 $0x1000;
	s6 =	sshll.u32 s0, $0x1;
	[dreg:$0x8] =	wrdreg s21  }
0xc: {  	s6 =	sor.u32 s5, s6;
	s18 =	ssub.s32 $0x2, s5;
	[dreg:$0x9] =	wrdreg s22  }
0xd: {  	s7 =	sshll.u32 s6, $0x2;
	s16 =	sshll.u32 s6, $0x8;
	[dreg:$0xa] =	wrdreg s24  }
0xe: {  	v0 =	vlaneseq.u32;
	s5 =	sshrl.u32 s18, $0x1;
	s11 =	sshll.u32 s6, $0x5;
	[dreg:$0xb] =	wrdreg s25  }
0xf: {  	s6 =	simm.s32 $0x80;
	[dreg:$0xc] =	wrdreg s26;
	s19 =	simm.s32 $0x580;
	v1 =	vor.u32 s11, v0  }
0x10: {  	s20 =	simm.s32 $0xD80;
	s21 =	simm.s32 $0x600;
	s22 =	simm.s32 $0xE00;
	v2 =	vmov s11;
	v1 =	vand.u32 $0x6F, v1  }
0x11: {  	s24 =	simm.s32 $0xE80;
	s25 =	simm.s32 $0x700;
	s26 =	simm.s32 $0xF00;
	vm0 =	veq.s32 v2, v0;
	vm1 =	vne.s32 v1, $0x0  }
0x12: {  	v3 =	vimm.s32 $0x0;
	s1 =	sadd.s32 s1, s7;
	s17 =	sadd.s32 s4, s16;
	s23 =	sor.u32 $0x10, s11;
	vm0 =	vmand vm0, vm1  }
0x13: {  	s4 =	ssub.s32 s18, s5;
	s5 =	simm.s32 $0x2;
	s7 =	simm.s32 $0x880;
	v4 =	vmov s23;
	v2 =	vshrl.u32 v2, $0x7;
	v3 =	vsel vm0, $0xFFFFFFFF, v3  }
0x14: {  	s11 =	simm.s32 $0x380;
	s16 =	simm.s32 $0xC80;
	[dreg:$0x4] =	wrdreg s1;
	v0 =	vor.u32 s23, v0;
	v4 =	vshll.u32 v4, $0x3;
	v2 =	vadd.s32 v3, v2  }
0x15: {  	s18 =	simm.s32 $0xD00;
	[dreg:$0x5] =	wrdreg s17;
	s4 =	smax.u32 s4, $0x1;
	v63 =	vand.u32 $0x7F, v0;
	v3 =	vand.u32 $0x7FFFFC00, v4;
	v2 =	vshll.u32 v2, $0xA  }
0x16: {  	s17 =	simm.s32 $0x500;
	s23 =	simm.s32 $0x680;
	s1 =	simm.s32 $0x1;
	v0 =	vor.u32 v1, v2;
	v1 =	vor.u32 v63, v3  }
.LBB2_1:
0x17: {  	s0 =	rddreg [dreg:$0x4]  }
0x18: {  	[tilespmem:s3], [sflag:$0x2] =	stream.linear.gather [hbm4b:s0+s3], $0x20, $0x38;
	[tilespmem:$0x1080] =	vst v63  }
0x19: {  	_ =	swait.ge [sflag:s5], $0x20  }
0x1a: {  	[sflag:s5] =	ssyncset.done $0x0  }
0x1b: {  	[sflag:s5] =	ssyncadd.s32 $0xFFFFFFE0  }
0x1c: {  	v2 =	vld [tilespmem:$0x0]  }
0x1d: {  	v3 =	vld [tilespmem:$0x10];
	_ =	sdelay $0x3  }
0x1e: {  	vm0 =	vgt.s32 v2, $0x0  }
0x1f: {  	vm15 =	vgt.s32 v3, $0x0;
	v2 =	vnsel vm0, $0x0, v2  }
0x20: {  	v3 =	vnsel vm15, $0x0, v3;
	v2 =	vmin.u32 v2, $0x3E7  }
0x21: {  	v3 =	vmin.u32 v3, $0x3E7;
	v2 =	vshll.u32 v2, $0x10  }
0x22: {  	v3 =	vshll.u32 v3, $0x10;
	v2 =	vadd.s32 v0, v2  }
0x23: {  	v3 =	vadd.s32 v1, v3;
	[tilespmem:$0x80] =	vst v2  }
0x24: {  	[tilespmem:$0x90] =	vst v3;
	v4 =	vor.u32 $0x80, v2  }
0x25: {  	v53 =	vor.u32 $0x80, v3;
	[tilespmem:$0xA0] =	vst v4  }
0x26: {  	v54 =	vor.u32 $0x100, v2;
	[tilespmem:$0xB0] =	vst v53  }
0x27: {  	v55 =	vor.u32 $0x100, v3;
	[tilespmem:$0xC0] =	vst v54  }
0x28: {  	v56 =	vor.u32 $0x180, v2;
	[tilespmem:$0xD0] =	vst v55  }
0x29: {  	v57 =	vor.u32 $0x180, v3;
	[tilespmem:$0xE0] =	vst v56  }
0x2a: {  	[tilespmem:$0xF0] =	vst v57  }
0x2b: {  	v58 =	vor.u32 $0x200, v2;
	[tilespmem:s7], [sflag:$0x1] =	stream.indirect.gather [hbm4b:s2+s6], $0x1, s6, s6, $0xb8;
	[tilespmem:$0x1080] =	vst v63  }
0x2c: {  	v59 =	vor.u32 $0x200, v3;
	[tilespmem:$0x100] =	vst v58  }
0x2d: {  	v60 =	vor.u32 $0x280, v2;
	[tilespmem:$0x110] =	vst v59  }
0x2e: {  	v61 =	vor.u32 $0x280, v3;
	[tilespmem:$0x120] =	vst v60  }
0x2f: {  	v62 =	vor.u32 $0x300, v2;
	[tilespmem:$0x130] =	vst v61  }
0x30: {  	v63 =	vor.u32 $0x300, v3;
	[tilespmem:$0x140] =	vst v62  }
0x31: {  	v8 =	vor.u32 $0x380, v2;
	[tilespmem:$0x150] =	vst v63  }
0x32: {  	s0 =	rddreg [dreg:$0x6];
	v9 =	vor.u32 $0x380, v3;
	[tilespmem:$0x160] =	vst v8  }
0x33: {  	s8 =	rddreg [dreg:$0x7];
	[tilespmem:$0x170] =	vst v9  }
0x34: {  	v10 =	vadd.s32 $0x2000, v2;
	[tilespmem:s8], [sflag:$0x1] =	stream.indirect.gather [hbm4b:s2+s6], $0x1, s0, s6, $0xb8;
	[tilespmem:$0x1080] =	vst v63  }
0x35: {  	v11 =	vadd.s32 $0x2000, v3;
	[tilespmem:$0x180] =	vst v10  }
0x36: {  	v12 =	vadd.s32 $0x2080, v2;
	[tilespmem:$0x190] =	vst v11  }
0x37: {  	v13 =	vadd.s32 $0x2080, v3;
	[tilespmem:$0x1A0] =	vst v12  }
0x38: {  	v14 =	vadd.s32 $0x2100, v2;
	[tilespmem:$0x1B0] =	vst v13  }
0x39: {  	v15 =	vadd.s32 $0x2100, v3;
	[tilespmem:$0x1C0] =	vst v14  }
0x3a: {  	v16 =	vadd.s32 $0x2180, v2;
	[tilespmem:$0x1D0] =	vst v15  }
0x3b: {  	v17 =	vadd.s32 $0x2180, v3;
	s0 =	rddreg [dreg:$0x8];
	[tilespmem:$0x1E0] =	vst v16  }
0x3c: {  	s8 =	rddreg [dreg:$0x9];
	[tilespmem:$0x1F0] =	vst v17  }
0x3d: {  	v18 =	vadd.s32 $0x2200, v2;
	[tilespmem:s8], [sflag:$0x1] =	stream.indirect.gather [hbm4b:s2+s6], $0x1, s0, s6, $0xb8;
	[tilespmem:$0x1080] =	vst v63  }
0x3e: {  	v19 =	vadd.s32 $0x2200, v3;
	[tilespmem:$0x200] =	vst v18  }
0x3f: {  	v20 =	vadd.s32 $0x2280, v2;
	[tilespmem:$0x210] =	vst v19  }
0x40: {  	v21 =	vadd.s32 $0x2280, v3;
	[tilespmem:$0x220] =	vst v20  }
0x41: {  	v22 =	vadd.s32 $0x2300, v2;
	[tilespmem:$0x230] =	vst v21  }
0x42: {  	v23 =	vadd.s32 $0x2300, v3;
	[tilespmem:$0x240] =	vst v22  }
0x43: {  	v24 =	vadd.s32 $0x2380, v2;
	[tilespmem:$0x250] =	vst v23  }
0x44: {  	v25 =	vadd.s32 $0x2380, v3;
	s0 =	rddreg [dreg:$0xa];
	[tilespmem:$0x260] =	vst v24  }
0x45: {  	s8 =	rddreg [dreg:$0xb];
	[tilespmem:$0x270] =	vst v25  }
0x46: {  	v26 =	vadd.s32 $0x4000, v2;
	[tilespmem:s8], [sflag:$0x1] =	stream.indirect.gather [hbm4b:s2+s6], $0x1, s0, s6, $0xb8;
	[tilespmem:$0x1080] =	vst v63  }
0x47: {  	v27 =	vadd.s32 $0x4000, v3;
	[tilespmem:$0x280] =	vst v26  }
0x48: {  	v28 =	vadd.s32 $0x4080, v2;
	[tilespmem:$0x290] =	vst v27  }
0x49: {  	v29 =	vadd.s32 $0x4080, v3;
	[tilespmem:$0x2A0] =	vst v28  }
0x4a: {  	v30 =	vadd.s32 $0x4100, v2;
	[tilespmem:$0x2B0] =	vst v29  }
0x4b: {  	v31 =	vadd.s32 $0x4100, v3;
	[tilespmem:$0x2C0] =	vst v30  }
0x4c: {  	v32 =	vadd.s32 $0x4180, v2;
	[tilespmem:$0x2D0] =	vst v31  }
0x4d: {  	v33 =	vadd.s32 $0x4180, v3;
	[tilespmem:$0x2E0] =	vst v32  }
0x4e: {  	s0 =	rddreg [dreg:$0xc];
	s8 =	simm.s32 $0xA80;
	[tilespmem:$0x2F0] =	vst v33  }
0x4f: {  	v34 =	vadd.s32 $0x4200, v2;
	[tilespmem:s8], [sflag:$0x1] =	stream.indirect.gather [hbm4b:s2+s6], $0x1, s0, s6, $0xb8;
	[tilespmem:$0x1080] =	vst v63  }
0x50: {  	v35 =	vadd.s32 $0x4200, v3;
	[tilespmem:$0x300] =	vst v34  }
0x51: {  	v36 =	vadd.s32 $0x4280, v2;
	[tilespmem:$0x310] =	vst v35  }
0x52: {  	v37 =	vadd.s32 $0x4280, v3;
	[tilespmem:$0x320] =	vst v36  }
0x53: {  	v38 =	vadd.s32 $0x4300, v2;
	[tilespmem:$0x330] =	vst v37  }
0x54: {  	v39 =	vadd.s32 $0x4300, v3;
	[tilespmem:$0x340] =	vst v38  }
0x55: {  	v40 =	vadd.s32 $0x4380, v2;
	[tilespmem:$0x350] =	vst v39  }
0x56: {  	v41 =	vadd.s32 $0x4380, v3;
	[tilespmem:$0x360] =	vst v40  }
0x57: {  	[tilespmem:$0x370] =	vst v41  }
0x58: {  	v42 =	vadd.s32 $0x6000, v2;
	[tilespmem:s10], [sflag:$0x1] =	stream.indirect.gather [hbm4b:s2+s6], $0x1, s9, s6, $0xb8;
	[tilespmem:$0x1080] =	vst v63  }
0x59: {  	v43 =	vadd.s32 $0x6000, v3;
	[tilespmem:$0x380] =	vst v42  }
0x5a: {  	v44 =	vadd.s32 $0x6080, v2;
	[tilespmem:$0x390] =	vst v43  }
0x5b: {  	v45 =	vadd.s32 $0x6080, v3;
	[tilespmem:$0x3A0] =	vst v44  }
0x5c: {  	v46 =	vadd.s32 $0x6100, v2;
	[tilespmem:$0x3B0] =	vst v45  }
0x5d: {  	v47 =	vadd.s32 $0x6100, v3;
	[tilespmem:$0x3C0] =	vst v46  }
0x5e: {  	v48 =	vadd.s32 $0x6180, v2;
	[tilespmem:$0x3D0] =	vst v47  }
0x5f: {  	v49 =	vadd.s32 $0x6180, v3;
	[tilespmem:$0x3E0] =	vst v48  }
0x60: {  	[tilespmem:$0x3F0] =	vst v49  }
0x61: {  	v50 =	vadd.s32 $0x6200, v2;
	[tilespmem:s12], [sflag:$0x1] =	stream.indirect.gather [hbm4b:s2+s6], $0x1, s11, s6, $0xb8;
	[tilespmem:$0x1080] =	vst v63  }
0x62: {  	v51 =	vadd.s32 $0x6200, v3;
	[tilespmem:$0x400] =	vst v50  }
0x63: {  	v52 =	vadd.s32 $0x6280, v2;
	[tilespmem:$0x410] =	vst v51  }
0x64: {  	v53 =	vadd.s32 $0x6280, v3;
	[tilespmem:$0x420] =	vst v52  }
0x65: {  	v54 =	vadd.s32 $0x6300, v2;
	[tilespmem:$0x430] =	vst v53  }
0x66: {  	v55 =	vadd.s32 $0x6300, v3;
	[tilespmem:$0x440] =	vst v54  }
0x67: {  	v56 =	vadd.s32 $0x6380, v2;
	[tilespmem:$0x450] =	vst v55  }
0x68: {  	v57 =	vadd.s32 $0x6380, v3;
	[tilespmem:$0x460] =	vst v56  }
0x69: {  	[tilespmem:$0x470] =	vst v57  }
0x6a: {  	v58 =	vadd.s32 $0x8000, v2;
	[tilespmem:s14], [sflag:$0x1] =	stream.indirect.gather [hbm4b:s2+s6], $0x1, s13, s6, $0xb8;
	[tilespmem:$0x1080] =	vst v63  }
0x6b: {  	v59 =	vadd.s32 $0x8000, v3;
	[tilespmem:$0x480] =	vst v58  }
0x6c: {  	v60 =	vadd.s32 $0x8080, v2;
	[tilespmem:$0x490] =	vst v59  }
0x6d: {  	v61 =	vadd.s32 $0x8080, v3;
	[tilespmem:$0x4A0] =	vst v60  }
0x6e: {  	v62 =	vadd.s32 $0x8100, v2;
	[tilespmem:$0x4B0] =	vst v61  }
0x6f: {  	v63 =	vadd.s32 $0x8100, v3;
	[tilespmem:$0x4C0] =	vst v62  }
0x70: {  	v8 =	vadd.s32 $0x8180, v2;
	[tilespmem:$0x4D0] =	vst v63  }
0x71: {  	v9 =	vadd.s32 $0x8180, v3;
	[tilespmem:$0x4E0] =	vst v8  }
0x72: {  	[tilespmem:$0x4F0] =	vst v9  }
0x73: {  	v10 =	vadd.s32 $0x8200, v2;
	[tilespmem:s16], [sflag:$0x1] =	stream.indirect.gather [hbm4b:s2+s6], $0x1, s15, s6, $0xb8;
	[tilespmem:$0x1080] =	vst v63  }
0x74: {  	v11 =	vadd.s32 $0x8200, v3;
	[tilespmem:$0x500] =	vst v10  }
0x75: {  	v12 =	vadd.s32 $0x8280, v2;
	[tilespmem:$0x510] =	vst v11  }
0x76: {  	v13 =	vadd.s32 $0x8280, v3;
	[tilespmem:$0x520] =	vst v12  }
0x77: {  	v14 =	vadd.s32 $0x8300, v2;
	[tilespmem:$0x530] =	vst v13  }
0x78: {  	v15 =	vadd.s32 $0x8300, v3;
	[tilespmem:$0x540] =	vst v14  }
0x79: {  	v16 =	vadd.s32 $0x8380, v2;
	[tilespmem:$0x550] =	vst v15  }
0x7a: {  	v17 =	vadd.s32 $0x8380, v3;
	[tilespmem:$0x560] =	vst v16  }
0x7b: {  	[tilespmem:$0x570] =	vst v17  }
0x7c: {  	v18 =	vadd.s32 $0xA000, v2;
	[tilespmem:s18], [sflag:$0x1] =	stream.indirect.gather [hbm4b:s2+s6], $0x1, s17, s6, $0xb8;
	[tilespmem:$0x1080] =	vst v63  }
0x7d: {  	v19 =	vadd.s32 $0xA000, v3;
	[tilespmem:$0x580] =	vst v18  }
0x7e: {  	v20 =	vadd.s32 $0xA080, v2;
	[tilespmem:$0x590] =	vst v19  }
0x7f: {  	v21 =	vadd.s32 $0xA080, v3;
	[tilespmem:$0x5A0] =	vst v20  }
0x80: {  	v22 =	vadd.s32 $0xA100, v2;
	[tilespmem:$0x5B0] =	vst v21  }
0x81: {  	v23 =	vadd.s32 $0xA100, v3;
	[tilespmem:$0x5C0] =	vst v22  }
0x82: {  	v24 =	vadd.s32 $0xA180, v2;
	[tilespmem:$0x5D0] =	vst v23  }
0x83: {  	v25 =	vadd.s32 $0xA180, v3;
	[tilespmem:$0x5E0] =	vst v24  }
0x84: {  	[tilespmem:$0x5F0] =	vst v25  }
0x85: {  	v26 =	vadd.s32 $0xA200, v2;
	[tilespmem:s20], [sflag:$0x1] =	stream.indirect.gather [hbm4b:s2+s6], $0x1, s19, s6, $0xb8;
	[tilespmem:$0x1080] =	vst v63  }
0x86: {  	v27 =	vadd.s32 $0xA200, v3;
	[tilespmem:$0x600] =	vst v26  }
0x87: {  	v28 =	vadd.s32 $0xA280, v2;
	[tilespmem:$0x610] =	vst v27  }
0x88: {  	v29 =	vadd.s32 $0xA280, v3;
	[tilespmem:$0x620] =	vst v28  }
0x89: {  	v30 =	vadd.s32 $0xA300, v2;
	[tilespmem:$0x630] =	vst v29  }
0x8a: {  	v31 =	vadd.s32 $0xA300, v3;
	[tilespmem:$0x640] =	vst v30  }
0x8b: {  	v32 =	vadd.s32 $0xA380, v2;
	[tilespmem:$0x650] =	vst v31  }
0x8c: {  	v33 =	vadd.s32 $0xA380, v3;
	[tilespmem:$0x660] =	vst v32  }
0x8d: {  	[tilespmem:$0x670] =	vst v33  }
0x8e: {  	v34 =	vadd.s32 $0xC000, v2;
	[tilespmem:s22], [sflag:$0x1] =	stream.indirect.gather [hbm4b:s2+s6], $0x1, s21, s6, $0xb8;
	[tilespmem:$0x1080] =	vst v63  }
0x8f: {  	v35 =	vadd.s32 $0xC000, v3;
	[tilespmem:$0x680] =	vst v34  }
0x90: {  	v36 =	vadd.s32 $0xC080, v2;
	[tilespmem:$0x690] =	vst v35  }
0x91: {  	v37 =	vadd.s32 $0xC080, v3;
	[tilespmem:$0x6A0] =	vst v36  }
0x92: {  	v38 =	vadd.s32 $0xC100, v2;
	[tilespmem:$0x6B0] =	vst v37  }
0x93: {  	v39 =	vadd.s32 $0xC100, v3;
	[tilespmem:$0x6C0] =	vst v38  }
0x94: {  	v40 =	vadd.s32 $0xC180, v2;
	[tilespmem:$0x6D0] =	vst v39  }
0x95: {  	v41 =	vadd.s32 $0xC180, v3;
	[tilespmem:$0x6E0] =	vst v40  }
0x96: {  	[tilespmem:$0x6F0] =	vst v41  }
0x97: {  	v42 =	vadd.s32 $0xC200, v2;
	[tilespmem:s24], [sflag:$0x1] =	stream.indirect.gather [hbm4b:s2+s6], $0x1, s23, s6, $0xb8;
	[tilespmem:$0x1080] =	vst v63  }
0x98: {  	v43 =	vadd.s32 $0xC200, v3;
	[tilespmem:$0x700] =	vst v42  }
0x99: {  	v44 =	vadd.s32 $0xC280, v2;
	[tilespmem:$0x710] =	vst v43  }
0x9a: {  	v45 =	vadd.s32 $0xC280, v3;
	[tilespmem:$0x720] =	vst v44  }
0x9b: {  	v46 =	vadd.s32 $0xC300, v2;
	[tilespmem:$0x730] =	vst v45  }
0x9c: {  	v47 =	vadd.s32 $0xC300, v3;
	[tilespmem:$0x740] =	vst v46  }
0x9d: {  	v48 =	vadd.s32 $0xC380, v2;
	[tilespmem:$0x750] =	vst v47  }
0x9e: {  	v49 =	vadd.s32 $0xC380, v3;
	[tilespmem:$0x760] =	vst v48  }
0x9f: {  	[tilespmem:$0x770] =	vst v49  }
0xa0: {  	v50 =	vadd.s32 $0xE000, v2;
	[tilespmem:s26], [sflag:$0x1] =	stream.indirect.gather [hbm4b:s2+s6], $0x1, s25, s6, $0xb8;
	[tilespmem:$0x1080] =	vst v63  }
0xa1: {  	v51 =	vadd.s32 $0xE000, v3;
	[tilespmem:$0x780] =	vst v50  }
0xa2: {  	v52 =	vadd.s32 $0xE080, v2;
	[tilespmem:$0x790] =	vst v51  }
0xa3: {  	v53 =	vadd.s32 $0xE080, v3;
	[tilespmem:$0x7A0] =	vst v52  }
0xa4: {  	v54 =	vadd.s32 $0xE100, v2;
	[tilespmem:$0x7B0] =	vst v53  }
0xa5: {  	v55 =	vadd.s32 $0xE100, v3;
	[tilespmem:$0x7C0] =	vst v54  }
0xa6: {  	v56 =	vadd.s32 $0xE180, v2;
	[tilespmem:$0x7D0] =	vst v55  }
0xa7: {  	v57 =	vadd.s32 $0xE180, v3;
	[tilespmem:$0x7E0] =	vst v56  }
0xa8: {  	[tilespmem:$0x7F0] =	vst v57  }
0xa9: {  	v58 =	vadd.s32 $0xE200, v2;
	[tilespmem:s29], [sflag:$0x1] =	stream.indirect.gather [hbm4b:s2+s6], $0x1, s28, s6, $0xb8;
	[tilespmem:$0x1080] =	vst v63  }
0xaa: {  	v59 =	vadd.s32 $0xE200, v3;
	[tilespmem:$0x800] =	vst v58  }
0xab: {  	v60 =	vadd.s32 $0xE280, v2;
	[tilespmem:$0x810] =	vst v59  }
0xac: {  	v61 =	vadd.s32 $0xE280, v3;
	[tilespmem:$0x820] =	vst v60  }
0xad: {  	v62 =	vadd.s32 $0xE300, v2;
	[tilespmem:$0x830] =	vst v61  }
0xae: {  	v63 =	vadd.s32 $0xE300, v3;
	[tilespmem:$0x840] =	vst v62  }
0xaf: {  	v2 =	vadd.s32 $0xE380, v2;
	[tilespmem:$0x850] =	vst v63  }
0xb0: {  	[tilespmem:$0x860] =	vst v2;
	v2 =	vadd.s32 $0xE380, v3  }
0xb1: {  	[tilespmem:$0x870] =	vst v2  }
0xb2: {  	[tilespmem:s31], [sflag:$0x1] =	stream.indirect.gather [hbm4b:s2+s6], $0x1, s30, s6, $0xb8;
	[tilespmem:$0x1080] =	vst v63  }
0xb3: {  	_ =	swait.ge [sflag:s1], $0x80  }
0xb4: {  	[sflag:s1] =	ssyncset.done $0x0  }
0xb5: {  	[sflag:s1] =	ssyncadd.s32 $0xFFFFFF80  }
0xb6: {  	_ =	swait.ge [sflag:s1], $0x80  }
0xb7: {  	[sflag:s1] =	ssyncset.done $0x0  }
0xb8: {  	[sflag:s1] =	ssyncadd.s32 $0xFFFFFF80  }
0xb9: {  	_ =	swait.ge [sflag:s1], $0x80  }
0xba: {  	[sflag:s1] =	ssyncset.done $0x0  }
0xbb: {  	[sflag:s1] =	ssyncadd.s32 $0xFFFFFF80  }
0xbc: {  	_ =	swait.ge [sflag:s1], $0x80  }
0xbd: {  	[sflag:s1] =	ssyncset.done $0x0  }
0xbe: {  	[sflag:s1] =	ssyncadd.s32 $0xFFFFFF80  }
0xbf: {  	_ =	swait.ge [sflag:s1], $0x80  }
0xc0: {  	[sflag:s1] =	ssyncset.done $0x0  }
0xc1: {  	[sflag:s1] =	ssyncadd.s32 $0xFFFFFF80  }
0xc2: {  	_ =	swait.ge [sflag:s1], $0x80  }
0xc3: {  	[sflag:s1] =	ssyncset.done $0x0  }
0xc4: {  	[sflag:s1] =	ssyncadd.s32 $0xFFFFFF80  }
0xc5: {  	_ =	swait.ge [sflag:s1], $0x80  }
0xc6: {  	[sflag:s1] =	ssyncset.done $0x0  }
0xc7: {  	[sflag:s1] =	ssyncadd.s32 $0xFFFFFF80  }
0xc8: {  	_ =	swait.ge [sflag:s1], $0x80  }
0xc9: {  	[sflag:s1] =	ssyncset.done $0x0  }
0xca: {  	[sflag:s1] =	ssyncadd.s32 $0xFFFFFF80  }
0xcb: {  	_ =	swait.ge [sflag:s1], $0x80  }
0xcc: {  	[sflag:s1] =	ssyncset.done $0x0  }
0xcd: {  	[sflag:s1] =	ssyncadd.s32 $0xFFFFFF80  }
0xce: {  	_ =	swait.ge [sflag:s1], $0x80  }
0xcf: {  	[sflag:s1] =	ssyncset.done $0x0  }
0xd0: {  	[sflag:s1] =	ssyncadd.s32 $0xFFFFFF80  }
0xd1: {  	_ =	swait.ge [sflag:s1], $0x80  }
0xd2: {  	[sflag:s1] =	ssyncset.done $0x0  }
0xd3: {  	[sflag:s1] =	ssyncadd.s32 $0xFFFFFF80  }
0xd4: {  	_ =	swait.ge [sflag:s1], $0x80  }
0xd5: {  	[sflag:s1] =	ssyncset.done $0x0  }
0xd6: {  	[sflag:s1] =	ssyncadd.s32 $0xFFFFFF80  }
0xd7: {  	_ =	swait.ge [sflag:s1], $0x80  }
0xd8: {  	[sflag:s1] =	ssyncset.done $0x0  }
0xd9: {  	[sflag:s1] =	ssyncadd.s32 $0xFFFFFF80  }
0xda: {  	_ =	swait.ge [sflag:s1], $0x80  }
0xdb: {  	[sflag:s1] =	ssyncset.done $0x0  }
0xdc: {  	[sflag:s1] =	ssyncadd.s32 $0xFFFFFF80  }
0xdd: {  	_ =	swait.ge [sflag:s1], $0x80  }
0xde: {  	[sflag:s1] =	ssyncset.done $0x0  }
0xdf: {  	[sflag:s1] =	ssyncadd.s32 $0xFFFFFF80  }
0xe0: {  	_ =	swait.ge [sflag:s1], $0x80  }
0xe1: {  	p0 =	sne.s32 s4, $0x1;
	[sflag:s1] =	ssyncset.done $0x0  }
.Ltmp0:
0xe2: {  	s8 =	rddreg [dreg:$0x5];
	[sflag:s1] =	ssyncadd.s32 $0xFFFFFF80;
	(pc) =	sbr.rel @p0 .LBB2_1-.Ltmp0, $4  }
0xe3: {  	[hbm4b:s8+s3] =	stream.linear.scatter [tilespmem:s7], [sflag:$0x2], $0x800, $0x38;
	[tilespmem:$0x1080] =	vst v63  }
0xe4: {  	_ =	swait.ge [sflag:s5], $0x800  }
0xe5: {  	[sflag:s5] =	ssyncset.done $0x0  }
0xe6: {  	s4 =	sadd.s32 $0xFFFFFFFF, s4;
	[sflag:s5] =	ssyncadd.s32 $0xFFFFF800  }
0xe7: {  	_ =	sfence.sel $0x180000  }
0xe8: {  	[bflag:$0x0] =	sbarrier.arrive $0xFFFF  }
0xe9: {  	_ =	strace $0x90000047  }
0xea: {  	s0 =	stileid.u32;
	[bflag:$0x2] =	sbarrier.arrive $0xFFFF  }
0xeb: {  	p0 =	sne.s32 s0, $0x0;
	s0 =	rddreg [dreg:$0x3]  }
0xec: {  	s0 =	sadd.s32 @!p0 $0x100000, s0  }
0xed: {  	[sflag:s0] =	ssyncadd.tile.s32 @!p0 $0x1;
	_ =	shalt  }
.Lfunc_end2:
_tile_overlayer_lowered:
.L_overlay_start_2:
0xee: {  	(tag) =	ssettag $0x2  }
0xef: {  	s0 =	rddreg [dreg:$0x0];
	s2 =	stileid.u32  }
0xf0: {  	s1 =	rddreg [dreg:$0x1];
	p0 =	sne.s32 s2, $0x0  }
0xf1: {  	s3 =	rddreg [dreg:$0x2];
	[bflag:$0x3] =	sbarrier.arrive $0xFFFF;
	s2 =	simm.s32 @!p0 $0x1C02  }
0xf2: {  	[timem:s3], [sflag:s2] =	dma.local @!p0 [hbm:s0], s1  }
0xf3: {  	s0 =	simm.s32 @!p0 $0x2  }
0xf4: {  	_ =	swait.ge @!p0 [sflag:s0], s1  }
0xf5: {  	s1 =	ssub.s32 @!p0 $0x0, s1;
	[sflag:s0] =	ssyncset.done @!p0 $0x0  }
0xf6: {  	[sflag:s0] =	ssyncadd.s32 @!p0 s1  }
0xf7: {  	[bflag:$0x3] =	sbarrier.arrive $0xFFFF  }
0xf8: {  	_ =	shalt  }

</sc_bundles>
